<compile_context>
chip_gen: v7x
topology: tpu7x:2x2x1
jax: 0.10.2.dev20260603
libtpu: 0.0.44.dev20260713+nightly
codegen_flags: <defaults>
</compile_context>

<pallas_src>
import functools

import jax
import jax.numpy as jnp
from jax import lax
from jax.experimental import pallas as pl
from jax.experimental.pallas import tpu as pltpu
from jax.experimental.pallas import tpu_sc as plsc

NC = 2
NS = 16
NW = NC * NS
CHUNK = 8
NBUF = 2


def _emb_body(nchunk, idx_hbm, table_hbm, out_hbm, idx_v, *rest):
    bufs = rest[:NBUF]
    in_sems = rest[NBUF:2 * NBUF]
    out_sems = rest[2 * NBUF:3 * NBUF]
    wid = lax.axis_index("s") * NC + lax.axis_index("c")
    rows_per_w = nchunk * CHUNK
    base = wid * rows_per_w
    pltpu.sync_copy(idx_hbm.at[0, 0, 0, pl.ds(base, rows_per_w)], idx_v)

    in_copies = [None] * NBUF
    out_copies = [None] * NBUF

    def gather(i, b):
        return pltpu.async_copy(
            table_hbm.at[idx_v.at[pl.ds(i * CHUNK, CHUNK)]], bufs[b],
            in_sems[b])

    for i in range(min(NBUF, nchunk)):
        in_copies[i] = gather(i, i)
    for i in range(nchunk):
        b = i % NBUF
        in_copies[b].wait()
        out_copies[b] = pltpu.async_copy(
            bufs[b], out_hbm.at[0, 0, pl.ds(base + i * CHUNK, CHUNK)],
            out_sems[b])
        nxt = i + NBUF
        if nxt < nchunk:
            out_copies[b].wait()
            in_copies[b] = gather(nxt, b)
    for i in range(max(0, nchunk - NBUF), nchunk):
        out_copies[i % NBUF].wait()


@functools.partial(jax.jit, static_argnames=("ntok",))
def _emb_call(input_ids, table, ntok):
    hid = table.shape[1]
    nchunk = ntok // (NW * CHUNK)
    mesh = plsc.VectorSubcoreMesh(core_axis_name="c", subcore_axis_name="s")
    k = functools.partial(
        pl.kernel,
        mesh=mesh,
        out_type=jax.ShapeDtypeStruct((1, 1, ntok, hid), table.dtype),
        scratch_types=(
            [pltpu.VMEM((nchunk * CHUNK,), jnp.int32)]
            + [pltpu.VMEM((CHUNK, hid), table.dtype)] * NBUF
            + [pltpu.SemaphoreType.DMA] * (2 * NBUF)
        ),
    )(functools.partial(_emb_body, nchunk))
    return k(input_ids, table)


def kernel(input_ids, embed_tokens):
    ntok = input_ids.size
    return _emb_call(input_ids, embed_tokens, ntok)

# --- scband reference (transcript-rebuilt; emitter-appended) ---
"""Pipeline reference for scband-deepseek-v3-embeddings-ttnn-71803263255215 (READ-ONLY COPY).

The authoritative reference and input builder live on the scoring server;
editing this copy changes nothing except your own understanding.
"""

import jax, jax.numpy as jnp
import numpy as np

VOCAB_SIZE = 129280
HIDDEN_SIZE = 7168
PADDING_IDX = 0
BATCH = 1
SEQ_LEN = 2048

def setup_inputs(seed: int = 0) -> dict:
    key = jax.random.key(seed)
    k1, k2 = jax.random.split(key)
    input_ids = jax.random.randint(k1, (1, 1, BATCH, SEQ_LEN), 0, VOCAB_SIZE, dtype=jnp.int32)
    embed_tokens = jax.random.normal(k2, (VOCAB_SIZE, HIDDEN_SIZE), dtype=jnp.float32) * 0.02
    # padding_idx row is zero, matching nn.Embedding(padding_idx=...) semantics
    embed_tokens = embed_tokens.at[PADDING_IDX].set(0.0)
    return {"input_ids": input_ids, "embed_tokens": embed_tokens}

def reference(input_ids, embed_tokens):
    # input_ids: [1, 1, B, S] int32 -> reshape to flat token stream, lookup, output [1, 1, B*S, H]
    batch_size = input_ids.shape[2]
    seq_len = input_ids.shape[3]
    input_ids_1d = input_ids.reshape(1, 1, 1, batch_size * seq_len)
    flat_ids = input_ids_1d.reshape(-1)
    embeddings = jnp.take(embed_tokens, flat_ids, axis=0)
    return embeddings.reshape(1, 1, batch_size * seq_len, embed_tokens.shape[1])

if __name__ == "__main__":
    import jax
    _d = setup_inputs()
    print(jax.jit(kernel)(*tuple(_d.values())))

</pallas_src>

<mosaic_0001>
#map = affine_map<(d0, d1) -> (0, 0, 0, 0)>
#map1 = affine_map<(d0, d1) -> (0, 0)>
module attributes {stable_mosaic.version = 14 : i64} {
  func.func @_emb_body(%arg0: i32, %arg1: i32, %arg2: memref<1x1x1x2048xi32, #tpu.memory_space<hbm>>, %arg3: memref<129280x7168xf32, #tpu.memory_space<hbm>>, %arg4: memref<1x1x2048x7168xf32, #tpu.memory_space<hbm>>, %arg5: memref<64xi32, #tpu.memory_space<vmem>>, %arg6: memref<8x7168xf32, #tpu.memory_space<vmem>>, %arg7: memref<8x7168xf32, #tpu.memory_space<vmem>>, %arg8: memref<!tpu.dma_semaphore, #tpu.memory_space<semaphore_mem>>, %arg9: memref<!tpu.dma_semaphore, #tpu.memory_space<semaphore_mem>>, %arg10: memref<!tpu.dma_semaphore, #tpu.memory_space<semaphore_mem>>, %arg11: memref<!tpu.dma_semaphore, #tpu.memory_space<semaphore_mem>>) attributes {dimension_semantics = [#tpu.dimension_semantics<core_parallel>, #tpu.dimension_semantics<subcore_parallel>], iteration_bounds = array<i64: 2, 16>, scalar_prefetch = 0 : i64, scratch_operands = 7 : i64, tpu.core_type = #tpu.core_type<sc_vector_subcore>, window_params = [{transform_indices = #map}, {transform_indices = #map1}, {transform_indices = #map}]} {
    %mul3A = arith.constant 2 : i32
    %mul3A_0 = arith.muli %arg1, %mul3A : i32
    %add3A = arith.addi %mul3A_0, %arg0 : i32
    %mul3A_1 = arith.constant 64 : i32
    %mul3A_2 = arith.muli %add3A, %mul3A_1 : i32
    %run_scoped3A = arith.constant 0 : i32
    %run_scoped3A_3 = arith.constant 0 : i32
    %run_scoped3A_4 = arith.constant 0 : i32
    "tpu.region"() ({
      %run_scoped3A_227 = tpu.sem_alloc : memref<!tpu.dma_semaphore, #tpu.memory_space<semaphore_mem>>
      %dma_start3A_228 = tpu.memref_slice %arg2[%run_scoped3A, %run_scoped3A_3, %run_scoped3A_4, %mul3A_2] : memref<1x1x1x2048xi32, #tpu.memory_space<hbm>> -> memref<1x1x1x64xi32, #tpu.memory_space<hbm>>
      %dma_start3A_229 = tpu.memref_squeeze %dma_start3A_228 : memref<1x1x1x64xi32, #tpu.memory_space<hbm>> -> memref<64xi32, #tpu.memory_space<hbm>>
      %dma_start3A_230 = tpu.memref_slice %arg2[%run_scoped3A, %run_scoped3A_3, %run_scoped3A_4, %mul3A_2] : memref<1x1x1x2048xi32, #tpu.memory_space<hbm>> -> memref<1x1x1x64xi32, #tpu.memory_space<hbm>>
      %dma_start3A_231 = tpu.memref_squeeze %dma_start3A_230 : memref<1x1x1x64xi32, #tpu.memory_space<hbm>> -> memref<64xi32, #tpu.memory_space<hbm>>
      tpu.enqueue_dma source(%dma_start3A_231 : memref<64xi32, #tpu.memory_space<hbm>>) target(%arg5 : memref<64xi32, #tpu.memory_space<vmem>>) target_semaphore(%run_scoped3A_227 : memref<!tpu.dma_semaphore, #tpu.memory_space<semaphore_mem>>)
      %dma_wait3A_232 = tpu.memref_slice %arg2[%run_scoped3A, %run_scoped3A_3, %run_scoped3A_4, %mul3A_2] : memref<1x1x1x2048xi32, #tpu.memory_space<hbm>> -> memref<1x1x1x64xi32, #tpu.memory_space<hbm>>
      %dma_wait3A_233 = tpu.memref_squeeze %dma_wait3A_232 : memref<1x1x1x64xi32, #tpu.memory_space<hbm>> -> memref<64xi32, #tpu.memory_space<hbm>>
      %dma_wait3A_234 = tpu.memref_slice %arg2[%run_scoped3A, %run_scoped3A_3, %run_scoped3A_4, %mul3A_2] : memref<1x1x1x2048xi32, #tpu.memory_space<hbm>> -> memref<1x1x1x64xi32, #tpu.memory_space<hbm>>
      %dma_wait3A_235 = tpu.memref_squeeze %dma_wait3A_234 : memref<1x1x1x64xi32, #tpu.memory_space<hbm>> -> memref<64xi32, #tpu.memory_space<hbm>>
      tpu.wait_dma2 semaphore(%run_scoped3A_227 : memref<!tpu.dma_semaphore, #tpu.memory_space<semaphore_mem>>) src(%dma_wait3A_235 : memref<64xi32, #tpu.memory_space<hbm>>) dst(%arg5 : memref<64xi32, #tpu.memory_space<vmem>>)
      tpu.yield
    }) : () -> ()
    %dma_start3A = arith.constant 0 : i32
    %dma_start3A_5 = tpu.memref_slice %arg5[%dma_start3A] : memref<64xi32, #tpu.memory_space<vmem>> -> memref<8xi32, #tpu.memory_space<vmem>>
    %dma_start3A_6 = arith.constant 0 : i32
    %dma_start3A_7 = arith.constant 0 : i32
    %dma_start3A_8 = tpu.memref_slice %arg3[%dma_start3A_6, %dma_start3A_7] : memref<129280x7168xf32, #tpu.memory_space<hbm>> -> memref<129280x7168xf32, #tpu.memory_space<hbm>>
    tpu.enqueue_indirect_dma source(%dma_start3A_8 : memref<129280x7168xf32, #tpu.memory_space<hbm>>) target(%arg6 : memref<8x7168xf32, #tpu.memory_space<vmem>>) offsets(%dma_start3A_5 : memref<8xi32, #tpu.memory_space<vmem>>) semaphore(%arg8 : memref<!tpu.dma_semaphore, #tpu.memory_space<semaphore_mem>>)
    %dma_start3A_9 = arith.constant 8 : i32
    %dma_start3A_10 = tpu.memref_slice %arg5[%dma_start3A_9] : memref<64xi32, #tpu.memory_space<vmem>> -> memref<8xi32, #tpu.memory_space<vmem>>
    %dma_start3A_11 = arith.constant 0 : i32
    %dma_start3A_12 = arith.constant 0 : i32
    %dma_start3A_13 = tpu.memref_slice %arg3[%dma_start3A_11, %dma_start3A_12] : memref<129280x7168xf32, #tpu.memory_space<hbm>> -> memref<129280x7168xf32, #tpu.memory_space<hbm>>
    tpu.enqueue_indirect_dma source(%dma_start3A_13 : memref<129280x7168xf32, #tpu.memory_space<hbm>>) target(%arg7 : memref<8x7168xf32, #tpu.memory_space<vmem>>) offsets(%dma_start3A_10 : memref<8xi32, #tpu.memory_space<vmem>>) semaphore(%arg9 : memref<!tpu.dma_semaphore, #tpu.memory_space<semaphore_mem>>)
    %dma_wait3A = arith.constant 0 : i32
    %dma_wait3A_14 = tpu.memref_slice %arg5[%dma_wait3A] : memref<64xi32, #tpu.memory_space<vmem>> -> memref<8xi32, #tpu.memory_space<vmem>>
    %dma_wait3A_15 = arith.constant 0 : i32
    %dma_wait3A_16 = arith.constant 0 : i32
    %dma_wait3A_17 = tpu.memref_slice %arg3[%dma_wait3A_15, %dma_wait3A_16] : memref<129280x7168xf32, #tpu.memory_space<hbm>> -> memref<129280x7168xf32, #tpu.memory_space<hbm>>
    tpu.wait_indirect_dma semaphore(%arg8 : memref<!tpu.dma_semaphore, #tpu.memory_space<semaphore_mem>>) src(%dma_wait3A_17 : memref<129280x7168xf32, #tpu.memory_space<hbm>>) dst(%arg6 : memref<8x7168xf32, #tpu.memory_space<vmem>>)
    %add3A_18 = arith.constant 0 : i32
    %add3A_19 = arith.addi %mul3A_2, %add3A_18 : i32
    %dma_start3A_20 = arith.constant 0 : i32
    %dma_start3A_21 = arith.constant 0 : i32
    %dma_start3A_22 = arith.constant 0 : i32
    %dma_start3A_23 = tpu.memref_slice %arg4[%dma_start3A_20, %dma_start3A_21, %add3A_19, %dma_start3A_22] : memref<1x1x2048x7168xf32, #tpu.memory_space<hbm>> -> memref<1x1x8x7168xf32, #tpu.memory_space<hbm>>
    %dma_start3A_24 = tpu.memref_squeeze %dma_start3A_23 : memref<1x1x8x7168xf32, #tpu.memory_space<hbm>> -> memref<8x7168xf32, #tpu.memory_space<hbm>>
    %dma_start3A_25 = arith.constant 0 : i32
    %dma_start3A_26 = tpu.memref_slice %arg4[%dma_start3A_20, %dma_start3A_21, %add3A_19, %dma_start3A_25] : memref<1x1x2048x7168xf32, #tpu.memory_space<hbm>> -> memref<1x1x8x7168xf32, #tpu.memory_space<hbm>>
    %dma_start3A_27 = tpu.memref_squeeze %dma_start3A_26 : memref<1x1x8x7168xf32, #tpu.memory_space<hbm>> -> memref<8x7168xf32, #tpu.memory_space<hbm>>
    tpu.enqueue_dma source(%arg6 : memref<8x7168xf32, #tpu.memory_space<vmem>>) target(%dma_start3A_27 : memref<8x7168xf32, #tpu.memory_space<hbm>>) target_semaphore(%arg10 : memref<!tpu.dma_semaphore, #tpu.memory_space<semaphore_mem>>)
    %dma_wait3A_28 = arith.constant 0 : i32
    %dma_wait3A_29 = arith.constant 0 : i32
    %dma_wait3A_30 = arith.constant 0 : i32
    %dma_wait3A_31 = tpu.memref_slice %arg4[%dma_wait3A_28, %dma_wait3A_29, %add3A_19, %dma_wait3A_30] : memref<1x1x2048x7168xf32, #tpu.memory_space<hbm>> -> memref<1x1x8x7168xf32, #tpu.memory_space<hbm>>
    %dma_wait3A_32 = tpu.memref_squeeze %dma_wait3A_31 : memref<1x1x8x7168xf32, #tpu.memory_space<hbm>> -> memref<8x7168xf32, #tpu.memory_space<hbm>>
    %dma_wait3A_33 = arith.constant 0 : i32
    %dma_wait3A_34 = tpu.memref_slice %arg4[%dma_wait3A_28, %dma_wait3A_29, %add3A_19, %dma_wait3A_33] : memref<1x1x2048x7168xf32, #tpu.memory_space<hbm>> -> memref<1x1x8x7168xf32, #tpu.memory_space<hbm>>
    %dma_wait3A_35 = tpu.memref_squeeze %dma_wait3A_34 : memref<1x1x8x7168xf32, #tpu.memory_space<hbm>> -> memref<8x7168xf32, #tpu.memory_space<hbm>>
    tpu.wait_dma2 semaphore(%arg10 : memref<!tpu.dma_semaphore, #tpu.memory_space<semaphore_mem>>) src(%arg6 : memref<8x7168xf32, #tpu.memory_space<vmem>>) dst(%dma_wait3A_35 : memref<8x7168xf32, #tpu.memory_space<hbm>>)
    %dma_start3A_36 = arith.constant 16 : i32
    %dma_start3A_37 = tpu.memref_slice %arg5[%dma_start3A_36] : memref<64xi32, #tpu.memory_space<vmem>> -> memref<8xi32, #tpu.memory_space<vmem>>
    %dma_start3A_38 = arith.constant 0 : i32
    %dma_start3A_39 = arith.constant 0 : i32
    %dma_start3A_40 = tpu.memref_slice %arg3[%dma_start3A_38, %dma_start3A_39] : memref<129280x7168xf32, #tpu.memory_space<hbm>> -> memref<129280x7168xf32, #tpu.memory_space<hbm>>
    tpu.enqueue_indirect_dma source(%dma_start3A_40 : memref<129280x7168xf32, #tpu.memory_space<hbm>>) target(%arg6 : memref<8x7168xf32, #tpu.memory_space<vmem>>) offsets(%dma_start3A_37 : memref<8xi32, #tpu.memory_space<vmem>>) semaphore(%arg8 : memref<!tpu.dma_semaphore, #tpu.memory_space<semaphore_mem>>)
    %dma_wait3A_41 = arith.constant 8 : i32
    %dma_wait3A_42 = tpu.memref_slice %arg5[%dma_wait3A_41] : memref<64xi32, #tpu.memory_space<vmem>> -> memref<8xi32, #tpu.memory_space<vmem>>
    %dma_wait3A_43 = arith.constant 0 : i32
    %dma_wait3A_44 = arith.constant 0 : i32
    %dma_wait3A_45 = tpu.memref_slice %arg3[%dma_wait3A_43, %dma_wait3A_44] : memref<129280x7168xf32, #tpu.memory_space<hbm>> -> memref<129280x7168xf32, #tpu.memory_space<hbm>>
    tpu.wait_indirect_dma semaphore(%arg9 : memref<!tpu.dma_semaphore, #tpu.memory_space<semaphore_mem>>) src(%dma_wait3A_45 : memref<129280x7168xf32, #tpu.memory_space<hbm>>) dst(%arg7 : memref<8x7168xf32, #tpu.memory_space<vmem>>)
    %add3A_46 = arith.constant 8 : i32
    %add3A_47 = arith.addi %mul3A_2, %add3A_46 : i32
    %dma_start3A_48 = arith.constant 0 : i32
    %dma_start3A_49 = arith.constant 0 : i32
    %dma_start3A_50 = arith.constant 0 : i32
    %dma_start3A_51 = tpu.memref_slice %arg4[%dma_start3A_48, %dma_start3A_49, %add3A_47, %dma_start3A_50] : memref<1x1x2048x7168xf32, #tpu.memory_space<hbm>> -> memref<1x1x8x7168xf32, #tpu.memory_space<hbm>>
    %dma_start3A_52 = tpu.memref_squeeze %dma_start3A_51 : memref<1x1x8x7168xf32, #tpu.memory_space<hbm>> -> memref<8x7168xf32, #tpu.memory_space<hbm>>
    %dma_start3A_53 = arith.constant 0 : i32
    %dma_start3A_54 = tpu.memref_slice %arg4[%dma_start3A_48, %dma_start3A_49, %add3A_47, %dma_start3A_53] : memref<1x1x2048x7168xf32, #tpu.memory_space<hbm>> -> memref<1x1x8x7168xf32, #tpu.memory_space<hbm>>
    %dma_start3A_55 = tpu.memref_squeeze %dma_start3A_54 : memref<1x1x8x7168xf32, #tpu.memory_space<hbm>> -> memref<8x7168xf32, #tpu.memory_space<hbm>>
    tpu.enqueue_dma source(%arg7 : memref<8x7168xf32, #tpu.memory_space<vmem>>) target(%dma_start3A_55 : memref<8x7168xf32, #tpu.memory_space<hbm>>) target_semaphore(%arg11 : memref<!tpu.dma_semaphore, #tpu.memory_space<semaphore_mem>>)
    %dma_wait3A_56 = arith.constant 0 : i32
    %dma_wait3A_57 = arith.constant 0 : i32
    %dma_wait3A_58 = arith.constant 0 : i32
    %dma_wait3A_59 = tpu.memref_slice %arg4[%dma_wait3A_56, %dma_wait3A_57, %add3A_47, %dma_wait3A_58] : memref<1x1x2048x7168xf32, #tpu.memory_space<hbm>> -> memref<1x1x8x7168xf32, #tpu.memory_space<hbm>>
    %dma_wait3A_60 = tpu.memref_squeeze %dma_wait3A_59 : memref<1x1x8x7168xf32, #tpu.memory_space<hbm>> -> memref<8x7168xf32, #tpu.memory_space<hbm>>
    %dma_wait3A_61 = arith.constant 0 : i32
    %dma_wait3A_62 = tpu.memref_slice %arg4[%dma_wait3A_56, %dma_wait3A_57, %add3A_47, %dma_wait3A_61] : memref<1x1x2048x7168xf32, #tpu.memory_space<hbm>> -> memref<1x1x8x7168xf32, #tpu.memory_space<hbm>>
    %dma_wait3A_63 = tpu.memref_squeeze %dma_wait3A_62 : memref<1x1x8x7168xf32, #tpu.memory_space<hbm>> -> memref<8x7168xf32, #tpu.memory_space<hbm>>
    tpu.wait_dma2 semaphore(%arg11 : memref<!tpu.dma_semaphore, #tpu.memory_space<semaphore_mem>>) src(%arg7 : memref<8x7168xf32, #tpu.memory_space<vmem>>) dst(%dma_wait3A_63 : memref<8x7168xf32, #tpu.memory_space<hbm>>)
    %dma_start3A_64 = arith.constant 24 : i32
    %dma_start3A_65 = tpu.memref_slice %arg5[%dma_start3A_64] : memref<64xi32, #tpu.memory_space<vmem>> -> memref<8xi32, #tpu.memory_space<vmem>>
    %dma_start3A_66 = arith.constant 0 : i32
    %dma_start3A_67 = arith.constant 0 : i32
    %dma_start3A_68 = tpu.memref_slice %arg3[%dma_start3A_66, %dma_start3A_67] : memref<129280x7168xf32, #tpu.memory_space<hbm>> -> memref<129280x7168xf32, #tpu.memory_space<hbm>>
    tpu.enqueue_indirect_dma source(%dma_start3A_68 : memref<129280x7168xf32, #tpu.memory_space<hbm>>) target(%arg7 : memref<8x7168xf32, #tpu.memory_space<vmem>>) offsets(%dma_start3A_65 : memref<8xi32, #tpu.memory_space<vmem>>) semaphore(%arg9 : memref<!tpu.dma_semaphore, #tpu.memory_space<semaphore_mem>>)
    %dma_wait3A_69 = arith.constant 16 : i32
    %dma_wait3A_70 = tpu.memref_slice %arg5[%dma_wait3A_69] : memref<64xi32, #tpu.memory_space<vmem>> -> memref<8xi32, #tpu.memory_space<vmem>>
    %dma_wait3A_71 = arith.constant 0 : i32
    %dma_wait3A_72 = arith.constant 0 : i32
    %dma_wait3A_73 = tpu.memref_slice %arg3[%dma_wait3A_71, %dma_wait3A_72] : memref<129280x7168xf32, #tpu.memory_space<hbm>> -> memref<129280x7168xf32, #tpu.memory_space<hbm>>
    tpu.wait_indirect_dma semaphore(%arg8 : memref<!tpu.dma_semaphore, #tpu.memory_space<semaphore_mem>>) src(%dma_wait3A_73 : memref<129280x7168xf32, #tpu.memory_space<hbm>>) dst(%arg6 : memref<8x7168xf32, #tpu.memory_space<vmem>>)
    %add3A_74 = arith.constant 16 : i32
    %add3A_75 = arith.addi %mul3A_2, %add3A_74 : i32
    %dma_start3A_76 = arith.constant 0 : i32
    %dma_start3A_77 = arith.constant 0 : i32
    %dma_start3A_78 = arith.constant 0 : i32
    %dma_start3A_79 = tpu.memref_slice %arg4[%dma_start3A_76, %dma_start3A_77, %add3A_75, %dma_start3A_78] : memref<1x1x2048x7168xf32, #tpu.memory_space<hbm>> -> memref<1x1x8x7168xf32, #tpu.memory_space<hbm>>
    %dma_start3A_80 = tpu.memref_squeeze %dma_start3A_79 : memref<1x1x8x7168xf32, #tpu.memory_space<hbm>> -> memref<8x7168xf32, #tpu.memory_space<hbm>>
    %dma_start3A_81 = arith.constant 0 : i32
    %dma_start3A_82 = tpu.memref_slice %arg4[%dma_start3A_76, %dma_start3A_77, %add3A_75, %dma_start3A_81] : memref<1x1x2048x7168xf32, #tpu.memory_space<hbm>> -> memref<1x1x8x7168xf32, #tpu.memory_space<hbm>>
    %dma_start3A_83 = tpu.memref_squeeze %dma_start3A_82 : memref<1x1x8x7168xf32, #tpu.memory_space<hbm>> -> memref<8x7168xf32, #tpu.memory_space<hbm>>
    tpu.enqueue_dma source(%arg6 : memref<8x7168xf32, #tpu.memory_space<vmem>>) target(%dma_start3A_83 : memref<8x7168xf32, #tpu.memory_space<hbm>>) target_semaphore(%arg10 : memref<!tpu.dma_semaphore, #tpu.memory_space<semaphore_mem>>)
    %dma_wait3A_84 = arith.constant 0 : i32
    %dma_wait3A_85 = arith.constant 0 : i32
    %dma_wait3A_86 = arith.constant 0 : i32
    %dma_wait3A_87 = tpu.memref_slice %arg4[%dma_wait3A_84, %dma_wait3A_85, %add3A_75, %dma_wait3A_86] : memref<1x1x2048x7168xf32, #tpu.memory_space<hbm>> -> memref<1x1x8x7168xf32, #tpu.memory_space<hbm>>
    %dma_wait3A_88 = tpu.memref_squeeze %dma_wait3A_87 : memref<1x1x8x7168xf32, #tpu.memory_space<hbm>> -> memref<8x7168xf32, #tpu.memory_space<hbm>>
    %dma_wait3A_89 = arith.constant 0 : i32
    %dma_wait3A_90 = tpu.memref_slice %arg4[%dma_wait3A_84, %dma_wait3A_85, %add3A_75, %dma_wait3A_89] : memref<1x1x2048x7168xf32, #tpu.memory_space<hbm>> -> memref<1x1x8x7168xf32, #tpu.memory_space<hbm>>
    %dma_wait3A_91 = tpu.memref_squeeze %dma_wait3A_90 : memref<1x1x8x7168xf32, #tpu.memory_space<hbm>> -> memref<8x7168xf32, #tpu.memory_space<hbm>>
    tpu.wait_dma2 semaphore(%arg10 : memref<!tpu.dma_semaphore, #tpu.memory_space<semaphore_mem>>) src(%arg6 : memref<8x7168xf32, #tpu.memory_space<vmem>>) dst(%dma_wait3A_91 : memref<8x7168xf32, #tpu.memory_space<hbm>>)
    %dma_start3A_92 = arith.constant 32 : i32
    %dma_start3A_93 = tpu.memref_slice %arg5[%dma_start3A_92] : memref<64xi32, #tpu.memory_space<vmem>> -> memref<8xi32, #tpu.memory_space<vmem>>
    %dma_start3A_94 = arith.constant 0 : i32
    %dma_start3A_95 = arith.constant 0 : i32
    %dma_start3A_96 = tpu.memref_slice %arg3[%dma_start3A_94, %dma_start3A_95] : memref<129280x7168xf32, #tpu.memory_space<hbm>> -> memref<129280x7168xf32, #tpu.memory_space<hbm>>
    tpu.enqueue_indirect_dma source(%dma_start3A_96 : memref<129280x7168xf32, #tpu.memory_space<hbm>>) target(%arg6 : memref<8x7168xf32, #tpu.memory_space<vmem>>) offsets(%dma_start3A_93 : memref<8xi32, #tpu.memory_space<vmem>>) semaphore(%arg8 : memref<!tpu.dma_semaphore, #tpu.memory_space<semaphore_mem>>)
    %dma_wait3A_97 = arith.constant 24 : i32
    %dma_wait3A_98 = tpu.memref_slice %arg5[%dma_wait3A_97] : memref<64xi32, #tpu.memory_space<vmem>> -> memref<8xi32, #tpu.memory_space<vmem>>
    %dma_wait3A_99 = arith.constant 0 : i32
    %dma_wait3A_100 = arith.constant 0 : i32
    %dma_wait3A_101 = tpu.memref_slice %arg3[%dma_wait3A_99, %dma_wait3A_100] : memref<129280x7168xf32, #tpu.memory_space<hbm>> -> memref<129280x7168xf32, #tpu.memory_space<hbm>>
    tpu.wait_indirect_dma semaphore(%arg9 : memref<!tpu.dma_semaphore, #tpu.memory_space<semaphore_mem>>) src(%dma_wait3A_101 : memref<129280x7168xf32, #tpu.memory_space<hbm>>) dst(%arg7 : memref<8x7168xf32, #tpu.memory_space<vmem>>)
    %add3A_102 = arith.constant 24 : i32
    %add3A_103 = arith.addi %mul3A_2, %add3A_102 : i32
    %dma_start3A_104 = arith.constant 0 : i32
    %dma_start3A_105 = arith.constant 0 : i32
    %dma_start3A_106 = arith.constant 0 : i32
    %dma_start3A_107 = tpu.memref_slice %arg4[%dma_start3A_104, %dma_start3A_105, %add3A_103, %dma_start3A_106] : memref<1x1x2048x7168xf32, #tpu.memory_space<hbm>> -> memref<1x1x8x7168xf32, #tpu.memory_space<hbm>>
    %dma_start3A_108 = tpu.memref_squeeze %dma_start3A_107 : memref<1x1x8x7168xf32, #tpu.memory_space<hbm>> -> memref<8x7168xf32, #tpu.memory_space<hbm>>
    %dma_start3A_109 = arith.constant 0 : i32
    %dma_start3A_110 = tpu.memref_slice %arg4[%dma_start3A_104, %dma_start3A_105, %add3A_103, %dma_start3A_109] : memref<1x1x2048x7168xf32, #tpu.memory_space<hbm>> -> memref<1x1x8x7168xf32, #tpu.memory_space<hbm>>
    %dma_start3A_111 = tpu.memref_squeeze %dma_start3A_110 : memref<1x1x8x7168xf32, #tpu.memory_space<hbm>> -> memref<8x7168xf32, #tpu.memory_space<hbm>>
    tpu.enqueue_dma source(%arg7 : memref<8x7168xf32, #tpu.memory_space<vmem>>) target(%dma_start3A_111 : memref<8x7168xf32, #tpu.memory_space<hbm>>) target_semaphore(%arg11 : memref<!tpu.dma_semaphore, #tpu.memory_space<semaphore_mem>>)
    %dma_wait3A_112 = arith.constant 0 : i32
    %dma_wait3A_113 = arith.constant 0 : i32
    %dma_wait3A_114 = arith.constant 0 : i32
    %dma_wait3A_115 = tpu.memref_slice %arg4[%dma_wait3A_112, %dma_wait3A_113, %add3A_103, %dma_wait3A_114] : memref<1x1x2048x7168xf32, #tpu.memory_space<hbm>> -> memref<1x1x8x7168xf32, #tpu.memory_space<hbm>>
    %dma_wait3A_116 = tpu.memref_squeeze %dma_wait3A_115 : memref<1x1x8x7168xf32, #tpu.memory_space<hbm>> -> memref<8x7168xf32, #tpu.memory_space<hbm>>
    %dma_wait3A_117 = arith.constant 0 : i32
    %dma_wait3A_118 = tpu.memref_slice %arg4[%dma_wait3A_112, %dma_wait3A_113, %add3A_103, %dma_wait3A_117] : memref<1x1x2048x7168xf32, #tpu.memory_space<hbm>> -> memref<1x1x8x7168xf32, #tpu.memory_space<hbm>>
    %dma_wait3A_119 = tpu.memref_squeeze %dma_wait3A_118 : memref<1x1x8x7168xf32, #tpu.memory_space<hbm>> -> memref<8x7168xf32, #tpu.memory_space<hbm>>
    tpu.wait_dma2 semaphore(%arg11 : memref<!tpu.dma_semaphore, #tpu.memory_space<semaphore_mem>>) src(%arg7 : memref<8x7168xf32, #tpu.memory_space<vmem>>) dst(%dma_wait3A_119 : memref<8x7168xf32, #tpu.memory_space<hbm>>)
    %dma_start3A_120 = arith.constant 40 : i32
    %dma_start3A_121 = tpu.memref_slice %arg5[%dma_start3A_120] : memref<64xi32, #tpu.memory_space<vmem>> -> memref<8xi32, #tpu.memory_space<vmem>>
    %dma_start3A_122 = arith.constant 0 : i32
    %dma_start3A_123 = arith.constant 0 : i32
    %dma_start3A_124 = tpu.memref_slice %arg3[%dma_start3A_122, %dma_start3A_123] : memref<129280x7168xf32, #tpu.memory_space<hbm>> -> memref<129280x7168xf32, #tpu.memory_space<hbm>>
    tpu.enqueue_indirect_dma source(%dma_start3A_124 : memref<129280x7168xf32, #tpu.memory_space<hbm>>) target(%arg7 : memref<8x7168xf32, #tpu.memory_space<vmem>>) offsets(%dma_start3A_121 : memref<8xi32, #tpu.memory_space<vmem>>) semaphore(%arg9 : memref<!tpu.dma_semaphore, #tpu.memory_space<semaphore_mem>>)
    %dma_wait3A_125 = arith.constant 32 : i32
    %dma_wait3A_126 = tpu.memref_slice %arg5[%dma_wait3A_125] : memref<64xi32, #tpu.memory_space<vmem>> -> memref<8xi32, #tpu.memory_space<vmem>>
    %dma_wait3A_127 = arith.constant 0 : i32
    %dma_wait3A_128 = arith.constant 0 : i32
    %dma_wait3A_129 = tpu.memref_slice %arg3[%dma_wait3A_127, %dma_wait3A_128] : memref<129280x7168xf32, #tpu.memory_space<hbm>> -> memref<129280x7168xf32, #tpu.memory_space<hbm>>
    tpu.wait_indirect_dma semaphore(%arg8 : memref<!tpu.dma_semaphore, #tpu.memory_space<semaphore_mem>>) src(%dma_wait3A_129 : memref<129280x7168xf32, #tpu.memory_space<hbm>>) dst(%arg6 : memref<8x7168xf32, #tpu.memory_space<vmem>>)
    %add3A_130 = arith.constant 32 : i32
    %add3A_131 = arith.addi %mul3A_2, %add3A_130 : i32
    %dma_start3A_132 = arith.constant 0 : i32
    %dma_start3A_133 = arith.constant 0 : i32
    %dma_start3A_134 = arith.constant 0 : i32
    %dma_start3A_135 = tpu.memref_slice %arg4[%dma_start3A_132, %dma_start3A_133, %add3A_131, %dma_start3A_134] : memref<1x1x2048x7168xf32, #tpu.memory_space<hbm>> -> memref<1x1x8x7168xf32, #tpu.memory_space<hbm>>
    %dma_start3A_136 = tpu.memref_squeeze %dma_start3A_135 : memref<1x1x8x7168xf32, #tpu.memory_space<hbm>> -> memref<8x7168xf32, #tpu.memory_space<hbm>>
    %dma_start3A_137 = arith.constant 0 : i32
    %dma_start3A_138 = tpu.memref_slice %arg4[%dma_start3A_132, %dma_start3A_133, %add3A_131, %dma_start3A_137] : memref<1x1x2048x7168xf32, #tpu.memory_space<hbm>> -> memref<1x1x8x7168xf32, #tpu.memory_space<hbm>>
    %dma_start3A_139 = tpu.memref_squeeze %dma_start3A_138 : memref<1x1x8x7168xf32, #tpu.memory_space<hbm>> -> memref<8x7168xf32, #tpu.memory_space<hbm>>
    tpu.enqueue_dma source(%arg6 : memref<8x7168xf32, #tpu.memory_space<vmem>>) target(%dma_start3A_139 : memref<8x7168xf32, #tpu.memory_space<hbm>>) target_semaphore(%arg10 : memref<!tpu.dma_semaphore, #tpu.memory_space<semaphore_mem>>)
    %dma_wait3A_140 = arith.constant 0 : i32
    %dma_wait3A_141 = arith.constant 0 : i32
    %dma_wait3A_142 = arith.constant 0 : i32
    %dma_wait3A_143 = tpu.memref_slice %arg4[%dma_wait3A_140, %dma_wait3A_141, %add3A_131, %dma_wait3A_142] : memref<1x1x2048x7168xf32, #tpu.memory_space<hbm>> -> memref<1x1x8x7168xf32, #tpu.memory_space<hbm>>
    %dma_wait3A_144 = tpu.memref_squeeze %dma_wait3A_143 : memref<1x1x8x7168xf32, #tpu.memory_space<hbm>> -> memref<8x7168xf32, #tpu.memory_space<hbm>>
    %dma_wait3A_145 = arith.constant 0 : i32
    %dma_wait3A_146 = tpu.memref_slice %arg4[%dma_wait3A_140, %dma_wait3A_141, %add3A_131, %dma_wait3A_145] : memref<1x1x2048x7168xf32, #tpu.memory_space<hbm>> -> memref<1x1x8x7168xf32, #tpu.memory_space<hbm>>
    %dma_wait3A_147 = tpu.memref_squeeze %dma_wait3A_146 : memref<1x1x8x7168xf32, #tpu.memory_space<hbm>> -> memref<8x7168xf32, #tpu.memory_space<hbm>>
    tpu.wait_dma2 semaphore(%arg10 : memref<!tpu.dma_semaphore, #tpu.memory_space<semaphore_mem>>) src(%arg6 : memref<8x7168xf32, #tpu.memory_space<vmem>>) dst(%dma_wait3A_147 : memref<8x7168xf32, #tpu.memory_space<hbm>>)
    %dma_start3A_148 = arith.constant 48 : i32
    %dma_start3A_149 = tpu.memref_slice %arg5[%dma_start3A_148] : memref<64xi32, #tpu.memory_space<vmem>> -> memref<8xi32, #tpu.memory_space<vmem>>
    %dma_start3A_150 = arith.constant 0 : i32
    %dma_start3A_151 = arith.constant 0 : i32
    %dma_start3A_152 = tpu.memref_slice %arg3[%dma_start3A_150, %dma_start3A_151] : memref<129280x7168xf32, #tpu.memory_space<hbm>> -> memref<129280x7168xf32, #tpu.memory_space<hbm>>
    tpu.enqueue_indirect_dma source(%dma_start3A_152 : memref<129280x7168xf32, #tpu.memory_space<hbm>>) target(%arg6 : memref<8x7168xf32, #tpu.memory_space<vmem>>) offsets(%dma_start3A_149 : memref<8xi32, #tpu.memory_space<vmem>>) semaphore(%arg8 : memref<!tpu.dma_semaphore, #tpu.memory_space<semaphore_mem>>)
    %dma_wait3A_153 = arith.constant 40 : i32
    %dma_wait3A_154 = tpu.memref_slice %arg5[%dma_wait3A_153] : memref<64xi32, #tpu.memory_space<vmem>> -> memref<8xi32, #tpu.memory_space<vmem>>
    %dma_wait3A_155 = arith.constant 0 : i32
    %dma_wait3A_156 = arith.constant 0 : i32
    %dma_wait3A_157 = tpu.memref_slice %arg3[%dma_wait3A_155, %dma_wait3A_156] : memref<129280x7168xf32, #tpu.memory_space<hbm>> -> memref<129280x7168xf32, #tpu.memory_space<hbm>>
    tpu.wait_indirect_dma semaphore(%arg9 : memref<!tpu.dma_semaphore, #tpu.memory_space<semaphore_mem>>) src(%dma_wait3A_157 : memref<129280x7168xf32, #tpu.memory_space<hbm>>) dst(%arg7 : memref<8x7168xf32, #tpu.memory_space<vmem>>)
    %add3A_158 = arith.constant 40 : i32
    %add3A_159 = arith.addi %mul3A_2, %add3A_158 : i32
    %dma_start3A_160 = arith.constant 0 : i32
    %dma_start3A_161 = arith.constant 0 : i32
    %dma_start3A_162 = arith.constant 0 : i32
    %dma_start3A_163 = tpu.memref_slice %arg4[%dma_start3A_160, %dma_start3A_161, %add3A_159, %dma_start3A_162] : memref<1x1x2048x7168xf32, #tpu.memory_space<hbm>> -> memref<1x1x8x7168xf32, #tpu.memory_space<hbm>>
    %dma_start3A_164 = tpu.memref_squeeze %dma_start3A_163 : memref<1x1x8x7168xf32, #tpu.memory_space<hbm>> -> memref<8x7168xf32, #tpu.memory_space<hbm>>
    %dma_start3A_165 = arith.constant 0 : i32
    %dma_start3A_166 = tpu.memref_slice %arg4[%dma_start3A_160, %dma_start3A_161, %add3A_159, %dma_start3A_165] : memref<1x1x2048x7168xf32, #tpu.memory_space<hbm>> -> memref<1x1x8x7168xf32, #tpu.memory_space<hbm>>
    %dma_start3A_167 = tpu.memref_squeeze %dma_start3A_166 : memref<1x1x8x7168xf32, #tpu.memory_space<hbm>> -> memref<8x7168xf32, #tpu.memory_space<hbm>>
    tpu.enqueue_dma source(%arg7 : memref<8x7168xf32, #tpu.memory_space<vmem>>) target(%dma_start3A_167 : memref<8x7168xf32, #tpu.memory_space<hbm>>) target_semaphore(%arg11 : memref<!tpu.dma_semaphore, #tpu.memory_space<semaphore_mem>>)
    %dma_wait3A_168 = arith.constant 0 : i32
    %dma_wait3A_169 = arith.constant 0 : i32
    %dma_wait3A_170 = arith.constant 0 : i32
    %dma_wait3A_171 = tpu.memref_slice %arg4[%dma_wait3A_168, %dma_wait3A_169, %add3A_159, %dma_wait3A_170] : memref<1x1x2048x7168xf32, #tpu.memory_space<hbm>> -> memref<1x1x8x7168xf32, #tpu.memory_space<hbm>>
    %dma_wait3A_172 = tpu.memref_squeeze %dma_wait3A_171 : memref<1x1x8x7168xf32, #tpu.memory_space<hbm>> -> memref<8x7168xf32, #tpu.memory_space<hbm>>
    %dma_wait3A_173 = arith.constant 0 : i32
    %dma_wait3A_174 = tpu.memref_slice %arg4[%dma_wait3A_168, %dma_wait3A_169, %add3A_159, %dma_wait3A_173] : memref<1x1x2048x7168xf32, #tpu.memory_space<hbm>> -> memref<1x1x8x7168xf32, #tpu.memory_space<hbm>>
    %dma_wait3A_175 = tpu.memref_squeeze %dma_wait3A_174 : memref<1x1x8x7168xf32, #tpu.memory_space<hbm>> -> memref<8x7168xf32, #tpu.memory_space<hbm>>
    tpu.wait_dma2 semaphore(%arg11 : memref<!tpu.dma_semaphore, #tpu.memory_space<semaphore_mem>>) src(%arg7 : memref<8x7168xf32, #tpu.memory_space<vmem>>) dst(%dma_wait3A_175 : memref<8x7168xf32, #tpu.memory_space<hbm>>)
    %dma_start3A_176 = arith.constant 56 : i32
    %dma_start3A_177 = tpu.memref_slice %arg5[%dma_start3A_176] : memref<64xi32, #tpu.memory_space<vmem>> -> memref<8xi32, #tpu.memory_space<vmem>>
    %dma_start3A_178 = arith.constant 0 : i32
    %dma_start3A_179 = arith.constant 0 : i32
    %dma_start3A_180 = tpu.memref_slice %arg3[%dma_start3A_178, %dma_start3A_179] : memref<129280x7168xf32, #tpu.memory_space<hbm>> -> memref<129280x7168xf32, #tpu.memory_space<hbm>>
    tpu.enqueue_indirect_dma source(%dma_start3A_180 : memref<129280x7168xf32, #tpu.memory_space<hbm>>) target(%arg7 : memref<8x7168xf32, #tpu.memory_space<vmem>>) offsets(%dma_start3A_177 : memref<8xi32, #tpu.memory_space<vmem>>) semaphore(%arg9 : memref<!tpu.dma_semaphore, #tpu.memory_space<semaphore_mem>>)
    %dma_wait3A_181 = arith.constant 48 : i32
    %dma_wait3A_182 = tpu.memref_slice %arg5[%dma_wait3A_181] : memref<64xi32, #tpu.memory_space<vmem>> -> memref<8xi32, #tpu.memory_space<vmem>>
    %dma_wait3A_183 = arith.constant 0 : i32
    %dma_wait3A_184 = arith.constant 0 : i32
    %dma_wait3A_185 = tpu.memref_slice %arg3[%dma_wait3A_183, %dma_wait3A_184] : memref<129280x7168xf32, #tpu.memory_space<hbm>> -> memref<129280x7168xf32, #tpu.memory_space<hbm>>
    tpu.wait_indirect_dma semaphore(%arg8 : memref<!tpu.dma_semaphore, #tpu.memory_space<semaphore_mem>>) src(%dma_wait3A_185 : memref<129280x7168xf32, #tpu.memory_space<hbm>>) dst(%arg6 : memref<8x7168xf32, #tpu.memory_space<vmem>>)
    %add3A_186 = arith.constant 48 : i32
    %add3A_187 = arith.addi %mul3A_2, %add3A_186 : i32
    %dma_start3A_188 = arith.constant 0 : i32
    %dma_start3A_189 = arith.constant 0 : i32
    %dma_start3A_190 = arith.constant 0 : i32
    %dma_start3A_191 = tpu.memref_slice %arg4[%dma_start3A_188, %dma_start3A_189, %add3A_187, %dma_start3A_190] : memref<1x1x2048x7168xf32, #tpu.memory_space<hbm>> -> memref<1x1x8x7168xf32, #tpu.memory_space<hbm>>
    %dma_start3A_192 = tpu.memref_squeeze %dma_start3A_191 : memref<1x1x8x7168xf32, #tpu.memory_space<hbm>> -> memref<8x7168xf32, #tpu.memory_space<hbm>>
    %dma_start3A_193 = arith.constant 0 : i32
    %dma_start3A_194 = tpu.memref_slice %arg4[%dma_start3A_188, %dma_start3A_189, %add3A_187, %dma_start3A_193] : memref<1x1x2048x7168xf32, #tpu.memory_space<hbm>> -> memref<1x1x8x7168xf32, #tpu.memory_space<hbm>>
    %dma_start3A_195 = tpu.memref_squeeze %dma_start3A_194 : memref<1x1x8x7168xf32, #tpu.memory_space<hbm>> -> memref<8x7168xf32, #tpu.memory_space<hbm>>
    tpu.enqueue_dma source(%arg6 : memref<8x7168xf32, #tpu.memory_space<vmem>>) target(%dma_start3A_195 : memref<8x7168xf32, #tpu.memory_space<hbm>>) target_semaphore(%arg10 : memref<!tpu.dma_semaphore, #tpu.memory_space<semaphore_mem>>)
    %dma_wait3A_196 = arith.constant 56 : i32
    %dma_wait3A_197 = tpu.memref_slice %arg5[%dma_wait3A_196] : memref<64xi32, #tpu.memory_space<vmem>> -> memref<8xi32, #tpu.memory_space<vmem>>
    %dma_wait3A_198 = arith.constant 0 : i32
    %dma_wait3A_199 = arith.constant 0 : i32
    %dma_wait3A_200 = tpu.memref_slice %arg3[%dma_wait3A_198, %dma_wait3A_199] : memref<129280x7168xf32, #tpu.memory_space<hbm>> -> memref<129280x7168xf32, #tpu.memory_space<hbm>>
    tpu.wait_indirect_dma semaphore(%arg9 : memref<!tpu.dma_semaphore, #tpu.memory_space<semaphore_mem>>) src(%dma_wait3A_200 : memref<129280x7168xf32, #tpu.memory_space<hbm>>) dst(%arg7 : memref<8x7168xf32, #tpu.memory_space<vmem>>)
    %add3A_201 = arith.constant 56 : i32
    %add3A_202 = arith.addi %mul3A_2, %add3A_201 : i32
    %dma_start3A_203 = arith.constant 0 : i32
    %dma_start3A_204 = arith.constant 0 : i32
    %dma_start3A_205 = arith.constant 0 : i32
    %dma_start3A_206 = tpu.memref_slice %arg4[%dma_start3A_203, %dma_start3A_204, %add3A_202, %dma_start3A_205] : memref<1x1x2048x7168xf32, #tpu.memory_space<hbm>> -> memref<1x1x8x7168xf32, #tpu.memory_space<hbm>>
    %dma_start3A_207 = tpu.memref_squeeze %dma_start3A_206 : memref<1x1x8x7168xf32, #tpu.memory_space<hbm>> -> memref<8x7168xf32, #tpu.memory_space<hbm>>
    %dma_start3A_208 = arith.constant 0 : i32
    %dma_start3A_209 = tpu.memref_slice %arg4[%dma_start3A_203, %dma_start3A_204, %add3A_202, %dma_start3A_208] : memref<1x1x2048x7168xf32, #tpu.memory_space<hbm>> -> memref<1x1x8x7168xf32, #tpu.memory_space<hbm>>
    %dma_start3A_210 = tpu.memref_squeeze %dma_start3A_209 : memref<1x1x8x7168xf32, #tpu.memory_space<hbm>> -> memref<8x7168xf32, #tpu.memory_space<hbm>>
    tpu.enqueue_dma source(%arg7 : memref<8x7168xf32, #tpu.memory_space<vmem>>) target(%dma_start3A_210 : memref<8x7168xf32, #tpu.memory_space<hbm>>) target_semaphore(%arg11 : memref<!tpu.dma_semaphore, #tpu.memory_space<semaphore_mem>>)
    %dma_wait3A_211 = arith.constant 0 : i32
    %dma_wait3A_212 = arith.constant 0 : i32
    %dma_wait3A_213 = arith.constant 0 : i32
    %dma_wait3A_214 = tpu.memref_slice %arg4[%dma_wait3A_211, %dma_wait3A_212, %add3A_187, %dma_wait3A_213] : memref<1x1x2048x7168xf32, #tpu.memory_space<hbm>> -> memref<1x1x8x7168xf32, #tpu.memory_space<hbm>>
    %dma_wait3A_215 = tpu.memref_squeeze %dma_wait3A_214 : memref<1x1x8x7168xf32, #tpu.memory_space<hbm>> -> memref<8x7168xf32, #tpu.memory_space<hbm>>
    %dma_wait3A_216 = arith.constant 0 : i32
    %dma_wait3A_217 = tpu.memref_slice %arg4[%dma_wait3A_211, %dma_wait3A_212, %add3A_187, %dma_wait3A_216] : memref<1x1x2048x7168xf32, #tpu.memory_space<hbm>> -> memref<1x1x8x7168xf32, #tpu.memory_space<hbm>>
    %dma_wait3A_218 = tpu.memref_squeeze %dma_wait3A_217 : memref<1x1x8x7168xf32, #tpu.memory_space<hbm>> -> memref<8x7168xf32, #tpu.memory_space<hbm>>
    tpu.wait_dma2 semaphore(%arg10 : memref<!tpu.dma_semaphore, #tpu.memory_space<semaphore_mem>>) src(%arg6 : memref<8x7168xf32, #tpu.memory_space<vmem>>) dst(%dma_wait3A_218 : memref<8x7168xf32, #tpu.memory_space<hbm>>)
    %dma_wait3A_219 = arith.constant 0 : i32
    %dma_wait3A_220 = arith.constant 0 : i32
    %dma_wait3A_221 = arith.constant 0 : i32
    %dma_wait3A_222 = tpu.memref_slice %arg4[%dma_wait3A_219, %dma_wait3A_220, %add3A_202, %dma_wait3A_221] : memref<1x1x2048x7168xf32, #tpu.memory_space<hbm>> -> memref<1x1x8x7168xf32, #tpu.memory_space<hbm>>
    %dma_wait3A_223 = tpu.memref_squeeze %dma_wait3A_222 : memref<1x1x8x7168xf32, #tpu.memory_space<hbm>> -> memref<8x7168xf32, #tpu.memory_space<hbm>>
    %dma_wait3A_224 = arith.constant 0 : i32
    %dma_wait3A_225 = tpu.memref_slice %arg4[%dma_wait3A_219, %dma_wait3A_220, %add3A_202, %dma_wait3A_224] : memref<1x1x2048x7168xf32, #tpu.memory_space<hbm>> -> memref<1x1x8x7168xf32, #tpu.memory_space<hbm>>
    %dma_wait3A_226 = tpu.memref_squeeze %dma_wait3A_225 : memref<1x1x8x7168xf32, #tpu.memory_space<hbm>> -> memref<8x7168xf32, #tpu.memory_space<hbm>>
    tpu.wait_dma2 semaphore(%arg11 : memref<!tpu.dma_semaphore, #tpu.memory_space<semaphore_mem>>) src(%arg7 : memref<8x7168xf32, #tpu.memory_space<vmem>>) dst(%dma_wait3A_226 : memref<8x7168xf32, #tpu.memory_space<hbm>>)
    return
  }
}

</mosaic_0001>

<sc_bundles>
// kernel: _emb_call.3.cloned.1.call-start
scs
__scs_entry_jumppad:
0x0: {  	(pc) =	sbr.rel $0x88, $3  }
0x1: {  	(tag) =	ssettag $0x0;
	lr =	simm.s32 $0x1  }
0x2: {  	[smem:$0x3F9F] =	sst lr;
	_ =	strace $0xD0000000  }
0x3: {  	_ = 	snop  }
0x4: {  	_ = 	snop  }
0x5: {  	_ = 	snop  }
0x6: {  	_ = 	snop  }
0x7: {  	_ = 	snop  }
__scs_overlays_trampoline_lowered:
0x8: {  	[smem:$0x3FAE] =	sst s0  }
0x9: {  	[smem:$0x3FAF] =	sst s1  }
0xa: {  	[smem:$0x3FB0] =	sst s2  }
0xb: {  	[smem:$0x3FB1] =	sst s3  }
0xc: {  	[smem:$0x3FB2] =	sst s4  }
0xd: {  	[smem:$0x3FB3] =	sst s5  }
0xe: {  	[smem:$0x3FB4] =	sst s6  }
0xf: {  	[smem:$0x3FB5] =	sst s7  }
0x10: {  	[smem:$0x3FB6] =	sst s8  }
0x11: {  	[smem:$0x3FB7] =	sst s9;
	s0 =	simm.s32 @!p0 $0x0  }
0x12: {  	s1 =	sld [smem:$0x3F9D];
	s0 =	simm.s32 @p0 $0x1  }
0x13: {  	[smem:$0x3FB8] =	sst s0;
	s0 =	simm.s32 @!p1 $0x0  }
0x14: {  	s2 =	sld [smem:$0x3F9C];
	s0 =	simm.s32 @p1 $0x1  }
0x15: {  	[smem:$0x3FB9] =	sst s0;
	s0 =	simm.s32 @!p2 $0x0  }
0x16: {  	s3 =	sld [smem:$0x3FDB];
	s0 =	simm.s32 @p2 $0x1  }
0x17: {  	s4 =	simm.s32 $0x1BF5;
	[smem:$0x3FBB] =	sst s0  }
0x18: {  	s0 =	sld [smem:$0x3F9E];
	_ =	swait.ge [sflag:s4], $0x0  }
0x19: {  	s7 =	sld [smem:$0x3F9F]  }
0x1a: {  	s8 =	sadd.s32 $0xFFFFE003, lr  }
0x1b: {  	s9 =	sadd.s32 $0xFFFFFEF7, lr;
	s5 =	simm.s32 $0xFFFFFFFF;
	p2 =	slt.u32 s8, $0xFFFFF086  }
0x1c: {  	p1 =	slt.u32 s9, $0xF7A;
	s5 =	simm.s32 @!p2 $0x0  }
0x1d: {  	s5 =	simm.s32 @p1 $0x1;
	p0 =	seq.s32 s7, s2  }
0x1e: {  	s7 =	smul.u32 @!p0 $0xF7A, s2;
	p2 =	seq.s32 @!p0 s5, $0x0  }
0x1f: {  	s9 =	smul.u32 $0xF7A, s1;
	s8 =	simm.s32 @!p0 $0x1BF5;
	p2 =	por !p2, p0  }
0x20: {  	[sflag:s8] =	ssyncset.s32 @!p0 $0xFFFFF086;
	s6 =	sadd.s32 @!p0 s3, s7;
	s7 =	simm.s32 @!p0 $0x108  }
0x21: {  	s3 =	sadd.s32 s3, s9;
	s6 =	sadd.s32 @!p0 $0x88, s6;
	s7 =	simm.s32 @p2 $0x1082  }
0x22: {  	[simem:s7], [sflag:s8] =	dma.local @!p0 [hbm:s6], $0xF7A  }
0x23: {  	s9 =	sor.u32 $0xD0000000, s2;
	s6 =	simm.s32 $0x108;
	_ =	swait.ge @!p0 [sflag:s8], $0x0  }
0x24: {  	s3 =	sadd.s32 $0x88, s3;
	s6 =	simm.s32 @!p1 $0x1082;
	[sflag:s4] =	ssyncset.s32 $0xFFFFF086  }
0x25: {  	[simem:s6], [sflag:s4] =	dma.local [hbm:s3], $0xF7A  }
0x26: {  	[smem:$0x3F9F] =	sst s1;
	(tag) =	ssettag s2;
	_ =	strace s9  }
0x27: {  	s1 =	sld [smem:$0x3FAF]  }
0x28: {  	s2 =	sld [smem:$0x3FB0]  }
0x29: {  	s4 =	sld [smem:$0x3FB2]  }
0x2a: {  	p0 =	seq.s32 s5, $0x0;
	s5 =	sld [smem:$0x3FB3]  }
0x2b: {  	s6 =	sld [smem:$0x3FB4]  }
0x2c: {  	s7 =	sld [smem:$0x3FB5]  }
0x2d: {  	s3 =	simm.s32 $0x108;
	s8 =	sld [smem:$0x3FB6]  }
0x2e: {  	s3 =	simm.s32 @!p0 $0x1082;
	s9 =	sld [smem:$0x3FB7]  }
0x2f: {  	lr =	sadd.s32 s0, s3;
	s0 =	sld [smem:$0x3FAE]  }
0x30: {  	s3 =	sld [smem:$0x3FB1]  }
0x31: {  	[smem:$0x3FBA] =	sst s10  }
0x32: {  	s10 =	sld [smem:$0x3FB8];
	_ =	sdelay $0x3  }
0x33: {  	p0 =	seq.s32 s10, $0x1;
	s10 =	sld [smem:$0x3FBA];
	_ =	sdelay $0x3  }
0x34: {  	[smem:$0x3FBA] =	sst s10  }
0x35: {  	s10 =	sld [smem:$0x3FB9];
	_ =	sdelay $0x3  }
0x36: {  	p1 =	seq.s32 s10, $0x1;
	s10 =	sld [smem:$0x3FBA];
	_ =	sdelay $0x3  }
0x37: {  	[smem:$0x3FBA] =	sst s10  }
0x38: {  	s10 =	sld [smem:$0x3FBB]  }
0x39: {  	_ = 	snop;
	(pc) =	sbr.ind lr, $3  }
0x3a: {  	_ = 	snop  }
0x3b: {  	_ = 	snop  }
0x3c: {  	p2 =	seq.s32 s10, $0x1;
	s10 =	sld [smem:$0x3FBA]  }
0x3d: {  	_ =	shalt  }
0x3e: {  	_ =	shalt  }
0x3f: {  	_ =	shalt  }
0x40: {  	_ =	shalt  }
0x41: {  	_ =	shalt  }
0x42: {  	_ =	shalt  }
0x43: {  	_ =	shalt  }
0x44: {  	_ =	shalt  }
0x45: {  	_ =	shalt  }
0x46: {  	_ =	shalt  }
0x47: {  	_ =	shalt  }
0x48: {  	_ =	shalt  }
0x49: {  	_ =	shalt  }
0x4a: {  	_ =	shalt  }
0x4b: {  	_ =	shalt  }
0x4c: {  	_ =	shalt  }
0x4d: {  	_ =	shalt  }
0x4e: {  	_ =	shalt  }
0x4f: {  	_ =	shalt  }
0x50: {  	_ =	shalt  }
0x51: {  	_ =	shalt  }
0x52: {  	_ =	shalt  }
0x53: {  	_ =	shalt  }
0x54: {  	_ =	shalt  }
0x55: {  	_ =	shalt  }
0x56: {  	_ =	shalt  }
0x57: {  	_ =	shalt  }
0x58: {  	_ =	shalt  }
0x59: {  	_ =	shalt  }
0x5a: {  	_ =	shalt  }
0x5b: {  	_ =	shalt  }
0x5c: {  	_ =	shalt  }
0x5d: {  	_ =	shalt  }
0x5e: {  	_ =	shalt  }
0x5f: {  	_ =	shalt  }
0x60: {  	_ =	shalt  }
0x61: {  	_ =	shalt  }
0x62: {  	_ =	shalt  }
0x63: {  	_ =	shalt  }
0x64: {  	_ =	shalt  }
0x65: {  	_ =	shalt  }
0x66: {  	_ =	shalt  }
0x67: {  	_ =	shalt  }
0x68: {  	_ =	shalt  }
0x69: {  	_ =	shalt  }
0x6a: {  	_ =	shalt  }
0x6b: {  	_ =	shalt  }
0x6c: {  	_ =	shalt  }
0x6d: {  	_ =	shalt  }
0x6e: {  	_ =	shalt  }
0x6f: {  	_ =	shalt  }
0x70: {  	_ =	shalt  }
0x71: {  	_ =	shalt  }
0x72: {  	_ =	shalt  }
0x73: {  	_ =	shalt  }
0x74: {  	_ =	shalt  }
0x75: {  	_ =	shalt  }
0x76: {  	_ =	shalt  }
0x77: {  	_ =	shalt  }
0x78: {  	_ =	shalt  }
0x79: {  	_ =	shalt  }
0x7a: {  	_ =	shalt  }
0x7b: {  	_ =	shalt  }
0x7c: {  	_ =	shalt  }
0x7d: {  	_ =	shalt  }
0x7e: {  	_ =	shalt  }
0x7f: {  	_ =	shalt  }
0x80: {  	_ =	shalt  }
0x81: {  	_ =	shalt  }
0x82: {  	_ =	shalt  }
0x83: {  	_ =	shalt  }
0x84: {  	_ =	shalt  }
0x85: {  	_ =	shalt  }
0x86: {  	_ =	shalt  }
0x87: {  	_ =	shalt  }
.Lfunc_end0:
.L_simem_size_0:
called_computation_lowered:
.L_overlay_start_0:
0x88: {  	s2 =	sld [smem:$0x3FD9]  }
0x89: {  	s3 =	sld [smem:$0x3FFE];
	_ =	sdelay $0x1  }
0x8a: {  	s1 =	srdreg.scid  }
0x8b: {  	s0 =	sand.u32 $0x1, s1  }
0x8c: {  	s18 =	sshll.u32 s0, $0xA;
	s2 =	sadd.s32 s3, s2  }
0x8d: {  	s2 =	sadd.s32 s2, s18  }
0x8e: {  	[smem:$0x3FC6] =	sst s2  }
0x8f: {  	_ = 	snop  }
0x90: {  	s2 =	sld [smem:$0x3FC9]  }
0x91: {  	s19 =	sld [smem:$0x3FC8]  }
0x92: {  	s4 =	sld [smem:$0x3FD0];
	(tm) =	ssettm $0x1  }
0x93: {  	s5 =	sld [smem:$0x3FFB];
	_ =	sdelay $0x3  }
0x94: {  	_ =	strace s5  }
0x95: {  	s5 =	sld [smem:$0x3FFC];
	_ =	sdelay $0x3  }
0x96: {  	_ =	strace s5  }
0x97: {  	s5 =	sld [smem:$0x3FFD];
	_ =	sdelay $0x3  }
0x98: {  	_ =	strace s5  }
0x99: {  	_ =	strace $0x8FFFFFFF  }
0x9a: {  	s20 =	sld [smem:$0x3FDB];
	_ =	sdelay $0x1  }
0x9b: {  	s6 =	simm.s32 $_scs_section_size  }
0x9c: {  	s7 =	simm.s32 $_size__tile_overlayer_lowered;
	s8 =	simm.s32 $_tile_overlayer_lowered  }
0x9d: {  	s23 =	simm.s32 $0x1BFF;
	s22 =	sshll.u32 s8, $0x1;
	s5 =	sadd.s32 s6, s20  }
0x9e: {  	s9 =	simm.s32 $0x0;
	s21 =	sshll.u32 s7, $0x1;
	s7 =	sadd.s32 s22, s5  }
0x9f: {  	[timem:s9], [sflag:s23] =	dma.local [hbm:s7], s21  }
0xa0: {  	_ =	swait.ge [sflag:s23], s21  }
0xa1: {  	s6 =	ssub.s32 $0x0, s21;
	[sflag:s23] =	ssyncset.done $0x0  }
0xa2: {  	[sflag:s23] =	ssyncadd.s32 s6;
	_ =	sdelay $0x1  }
0xa3: {  	s24 =	simm.s32 $0x1B8B  }
0xa4: {  	_ =	swait.ge [sflag:s24], $0x1  }
0xa5: {  	[sflag:s24] =	ssyncset.done $0x0  }
0xa6: {  	s25 =	simm.s32 $0x1B8E;
	[sflag:s24] =	ssyncadd.s32 $0xFFFFFFFF  }
0xa7: {  	s26 =	simm.s32 $execute0_lowered;
	[smem:$0x3FD2] =	sst s25  }
0xa8: {  	s6 =	sshll.u32 s26, $0x1;
	_ =	strace $0x80000046;
	[dreg:$0x1] =	wrdreg $0xFFFFFFFF  }
0xa9: {  	s28 =	simm.s32 $_size_execute0_lowered;
	s5 =	sadd.s32 s5, s6;
	[dreg:$0x0] =	wrdreg $0x0  }
0xaa: {  	s6 =	sshll.u32 s28, $0x1;
	[dreg:$0x2] =	wrdreg s5  }
0xab: {  	[dreg:$0x3] =	wrdreg s6  }
0xac: {  	[dreg:$0x4] =	wrdreg $0xC0  }
0xad: {  	_ =	task [dreg:s9], $0x5FFFF  }
0xae: {  	[dreg:$0x1] =	wrdreg $0xFFFFFFFF  }
0xaf: {  	[dreg:$0x0] =	wrdreg $0x60  }
0xb0: {  	[dreg:$0x2] =	wrdreg s2  }
0xb1: {  	[dreg:$0x3] =	wrdreg s19  }
0xb2: {  	[dreg:$0x4] =	wrdreg s4  }
0xb3: {  	[dreg:$0x5] =	wrdreg $0x9  }
0xb4: {  	_ =	task.clear_ibuf [dreg:s9], $0x6FFFF;
	_ =	strace $0x90000046  }
0xb5: {  	s29 =	simm.s32 $0x9;
	_ =	strace $0x80000048  }
0xb6: {  	_ =	swait.ge [sflag:s29], $0x1  }
0xb7: {  	[sflag:s29] =	ssyncadd.s32 $0xFFFFFFFF  }
0xb8: {  	_ =	strace $0x90000048  }
0xb9: {  	_ =	sfence  }
0xba: {  	s30 =	sld [smem:$0x0];
	_ =	sdelay $0x2  }
0xbb: {  	s31 =	sshll.u32 s1, $0xD;
	s1 =	sshrl.u32 s1, $0x2  }
0xbc: {  	s3 =	sand.u32 $0x4000, s31;
	s1 =	sadd.s32 s1, s30  }
0xbd: {  	s0 =	sor.u32 s3, s0;
	s1 =	sshll.u32 s1, $0x11  }
0xbe: {  	s0 =	sor.u32 s1, s0  }
0xbf: {  	s0 =	sadd.s32 $0x8F2B, s0  }
0xc0: {  	[sflag:s0] =	ssyncadd.remote.s32 $0x1  }
0xc1: {  	_ =	sfence.sel $0xFFFF  }
0xc2: {  	[dreg:$0x0] =	wrdreg $0xFFFFFFFF;
	(pc) =	sbr.abs _section_cstart, $3  }
0xc3: {  	[dreg:$0x1] =	wrdreg $0xFFFFFFFF  }
0xc4: {  	_ =	task.clear_ibuf [dreg:s9], $0x2FFFF;
	_ =	strace $0x9FFFFFFF  }
0xc5: {  	(tm) =	ssettm $0x7FFFFFFF  }
tec
execute0_lowered:
.L_overlay_start_1:
0x0: {  	(tag) =	ssettag $0x1  }
0x1: {  	s0 =	rddreg [dreg:$0x0]  }
0x2: {  	s25 =	rddreg [dreg:$0x1]  }
0x3: {  	s1 =	rddreg [dreg:$0x2];
	s3 =	simm.s32 $0x0  }
0x4: {  	[smem:$0x7FF] =	sst s3;
	s20 =	sadd.s32 $0x100, s25  }
0x5: {  	s21 =	sadd.s32 $0x200, s25;
	_ =	strace $0x80000047;
	[dreg:$0xe] =	wrdreg s20  }
0x6: {  	s22 =	sadd.s32 $0x300, s25;
	[dreg:$0xf] =	wrdreg s21  }
0x7: {  	s23 =	sadd.s32 $0x400, s25;
	[dreg:$0x10] =	wrdreg s22  }
0x8: {  	s24 =	sadd.s32 $0x500, s25;
	[dreg:$0x11] =	wrdreg s23  }
0x9: {  	s28 =	sadd.s32 $0x600, s25;
	[dreg:$0x12] =	wrdreg s24  }
0xa: {  	s29 =	sadd.s32 $0x700, s25;
	[dreg:$0x13] =	wrdreg s28  }
0xb: {  	s30 =	sadd.s32 $0x800, s25;
	[dreg:$0x14] =	wrdreg s29  }
0xc: {  	s31 =	sadd.s32 $0x900, s25;
	[dreg:$0x15] =	wrdreg s30  }
0xd: {  	s6 =	sadd.s32 $0xB00, s25;
	[dreg:$0x16] =	wrdreg s31  }
0xe: {  	s8 =	sadd.s32 $0xC00, s25;
	[dreg:$0x18] =	wrdreg s6  }
0xf: {  	s10 =	sadd.s32 $0xD00, s25;
	[dreg:$0x19] =	wrdreg s8  }
0x10: {  	s12 =	sadd.s32 $0xE00, s25;
	[dreg:$0x1a] =	wrdreg s10  }
0x11: {  	s14 =	sadd.s32 $0xF00, s25;
	[dreg:$0x1b] =	wrdreg s12  }
0x12: {  	s16 =	sadd.s32 $0x1000, s25;
	[dreg:$0x1c] =	wrdreg s14  }
0x13: {  	s18 =	sadd.s32 $0x1100, s25;
	[dreg:$0x1d] =	wrdreg s16  }
0x14: {  	[dreg:$0x1e] =	wrdreg s18;
	s20 =	sadd.s32 $0x1200, s25  }
0x15: {  	s21 =	sadd.s32 $0x1300, s25;
	[dreg:$0x1f] =	wrdreg s20  }
0x16: {  	s22 =	sadd.s32 $0x1400, s25;
	[smem:$0x7F5] =	sst s21  }
0x17: {  	s2 =	srdreg.scid;
	s23 =	sadd.s32 $0x1500, s25;
	[smem:$0x7F6] =	sst s22  }
0x18: {  	s4 =	stileid.u32;
	s24 =	sadd.s32 $0x1600, s25;
	[smem:$0x7F7] =	sst s23  }
0x19: {  	s2 =	sand.u32 $0x1, s2;
	s28 =	sadd.s32 $0x1800, s25;
	[smem:$0x7F8] =	sst s24  }
0x1a: {  	s4 =	sshll.u32 s4, $0x4;
	s29 =	sadd.s32 $0x1900, s25;
	[smem:$0x7FA] =	sst s28  }
0x1b: {  	s5 =	sshll.u32 s2, $0x3;
	s30 =	sadd.s32 $0x1A00, s25;
	[smem:$0x7FB] =	sst s29  }
0x1c: {  	s31 =	sadd.s32 $0x1B00, s25;
	s11 =	sor.u32 s5, s4;
	[smem:$0x7FC] =	sst s30  }
0x1d: {  	s5 =	sadd.s32 $0xA00, s25;
	[smem:$0x7FD] =	sst s31;
	s26 =	smul.u32 $0x1C00, s11  }
0x1e: {  	s0 =	sadd.s32 s0, s11;
	s15 =	smul.u32 $0xE000, s11;
	[dreg:$0x17] =	wrdreg s5  }
0x1f: {  	[dreg:$0x4] =	wrdreg s0;
	s17 =	sadd.s32 s1, s26  }
0x20: {  	s7 =	sshrl.u32 s15, $0x3;
	s26 =	sadd.s32 $0x1700, s25;
	[dreg:$0xc] =	wrdreg s17  }
0x21: {  	s9 =	sadd.s32 $0x1C00, s17;
	s0 =	sadd.s32 s1, s7;
	[smem:$0x7F9] =	sst s26  }
0x22: {  	[dreg:$0x5] =	wrdreg s9;
	s11 =	sadd.s32 $0x3800, s0  }
0x23: {  	s13 =	sadd.s32 $0x5400, s0;
	[dreg:$0x6] =	wrdreg s11  }
0x24: {  	s2 =	ssub.s32 $0x2, s2;
	s15 =	sadd.s32 $0x7000, s0;
	[dreg:$0x7] =	wrdreg s13  }
0x25: {  	s19 =	sshrl.u32 s2, $0x1;
	s17 =	sadd.s32 $0x8C00, s0;
	[dreg:$0x8] =	wrdreg s15  }
0x26: {  	v0 =	vlaneseq.u32;
	s2 =	ssub.s32 s2, s19;
	s19 =	sadd.s32 $0xA800, s0;
	[dreg:$0x9] =	wrdreg s17  }
0x27: {  	v1 =	vshrl.u32 v0, $0x3;
	s0 =	sadd.s32 $0xC400, s0;
	[dreg:$0xa] =	wrdreg s19  }
0x28: {  	vm0 =	vmmov $0xffff;
	v0 =	vand.u32 $0x7, v0;
	v1 =	vmul.u32 $0x8, v1;
	s2 =	smax.u32 s2, $0x1;
	[dreg:$0xb] =	wrdreg s0  }
.LBB2_1:
0x29: {  	[dreg:$0xd] =	wrdreg s2  }
0x2a: {  	s9 =	rddreg [dreg:$0x4];
	s10 =	simm.s32 $0x5  }
0x2b: {  	[tilespmem:s3], [sflag:$0x5] =	stream.linear.gather [hbm4b:s9+s3], $0x40, $0x38;
	[tilespmem:$0x1C080] =	vst v63  }
0x2c: {  	_ =	swait.ge [sflag:s10], $0x40  }
0x2d: {  	[sflag:s10] =	ssyncset.done $0x0  }
0x2e: {  	[sflag:s10] =	ssyncadd.s32 $0xFFFFFFC0  }
0x2f: {  	v2 =	vld.msk [tilespmem:$0x0], $0xff;
	_ =	sdelay $0x4  }
0x30: {  	v3 =	vshrl.u32 v2, $0x3  }
0x31: {  	v3 =	vmul.u32 $0x1C0, v3  }
0x32: {  	v2 =	vand.u32 $0x7, v2  }
0x33: {  	v2 =	vor.u32 v2, v3  }
0x34: {  	v2 =	vperm.xlane v2, v0;
	_ =	sdelay $0x1  }
0x35: {  	v2 =	vadd.s32 v1, v2;
	_ =	sdelay $0x2  }
0x36: {  	s5 =	rddreg [dreg:$0xe]  }
0x37: {  	s0 =	simm.s32 $0x80;
	s1 =	rddreg [dreg:$0x1]  }
0x38: {  	[tilespmem:s0], [sflag:$0x1] =	stream.indirect_vreg.gather [hbm4b:s1+s3], $0x80, v2, vm0, $0xb8;
	[tilespmem:$0x1C080] =	vst v63  }
0x39: {  	s11 =	simm.s32 $0x880;
	s6 =	rddreg [dreg:$0xf]  }
0x3a: {  	[tilespmem:s11], [sflag:$0x1] =	stream.indirect_vreg.gather [hbm4b:s5+s3], $0x80, v2, vm0, $0xb8;
	[tilespmem:$0x1C080] =	vst v63  }
0x3b: {  	s12 =	simm.s32 $0x1080;
	s7 =	rddreg [dreg:$0x10]  }
0x3c: {  	[tilespmem:s12], [sflag:$0x1] =	stream.indirect_vreg.gather [hbm4b:s6+s3], $0x80, v2, vm0, $0xb8;
	[tilespmem:$0x1C080] =	vst v63  }
0x3d: {  	s13 =	simm.s32 $0x1880;
	s8 =	rddreg [dreg:$0x11]  }
0x3e: {  	[tilespmem:s13], [sflag:$0x1] =	stream.indirect_vreg.gather [hbm4b:s7+s3], $0x80, v2, vm0, $0xb8;
	[tilespmem:$0x1C080] =	vst v63  }
0x3f: {  	s14 =	simm.s32 $0x2080;
	s9 =	rddreg [dreg:$0x12]  }
0x40: {  	[tilespmem:s14], [sflag:$0x1] =	stream.indirect_vreg.gather [hbm4b:s8+s3], $0x80, v2, vm0, $0xb8;
	[tilespmem:$0x1C080] =	vst v63  }
0x41: {  	s15 =	simm.s32 $0x2880;
	s10 =	rddreg [dreg:$0x13]  }
0x42: {  	[tilespmem:s15], [sflag:$0x1] =	stream.indirect_vreg.gather [hbm4b:s9+s3], $0x80, v2, vm0, $0xb8;
	[tilespmem:$0x1C080] =	vst v63  }
0x43: {  	s16 =	simm.s32 $0x3080;
	s11 =	rddreg [dreg:$0x14]  }
0x44: {  	[tilespmem:s16], [sflag:$0x1] =	stream.indirect_vreg.gather [hbm4b:s10+s3], $0x80, v2, vm0, $0xb8;
	[tilespmem:$0x1C080] =	vst v63  }
0x45: {  	s17 =	simm.s32 $0x3880;
	s12 =	rddreg [dreg:$0x15]  }
0x46: {  	[tilespmem:s17], [sflag:$0x1] =	stream.indirect_vreg.gather [hbm4b:s11+s3], $0x80, v2, vm0, $0xb8;
	[tilespmem:$0x1C080] =	vst v63  }
0x47: {  	s18 =	simm.s32 $0x4080;
	s13 =	rddreg [dreg:$0x16]  }
0x48: {  	[tilespmem:s18], [sflag:$0x1] =	stream.indirect_vreg.gather [hbm4b:s12+s3], $0x80, v2, vm0, $0xb8;
	[tilespmem:$0x1C080] =	vst v63  }
0x49: {  	s19 =	simm.s32 $0x4880;
	s14 =	rddreg [dreg:$0x17]  }
0x4a: {  	[tilespmem:s19], [sflag:$0x1] =	stream.indirect_vreg.gather [hbm4b:s13+s3], $0x80, v2, vm0, $0xb8;
	[tilespmem:$0x1C080] =	vst v63  }
0x4b: {  	s20 =	simm.s32 $0x5080;
	s16 =	rddreg [dreg:$0x18]  }
0x4c: {  	[tilespmem:s20], [sflag:$0x1] =	stream.indirect_vreg.gather [hbm4b:s14+s3], $0x80, v2, vm0, $0xb8;
	[tilespmem:$0x1C080] =	vst v63  }
0x4d: {  	s21 =	simm.s32 $0x5880;
	s17 =	rddreg [dreg:$0x19]  }
0x4e: {  	[tilespmem:s21], [sflag:$0x1] =	stream.indirect_vreg.gather [hbm4b:s16+s3], $0x80, v2, vm0, $0xb8;
	[tilespmem:$0x1C080] =	vst v63  }
0x4f: {  	s22 =	simm.s32 $0x6080;
	s18 =	rddreg [dreg:$0x1a]  }
0x50: {  	[tilespmem:s22], [sflag:$0x1] =	stream.indirect_vreg.gather [hbm4b:s17+s3], $0x80, v2, vm0, $0xb8;
	[tilespmem:$0x1C080] =	vst v63  }
0x51: {  	s23 =	simm.s32 $0x6880;
	s19 =	rddreg [dreg:$0x1b]  }
0x52: {  	[tilespmem:s23], [sflag:$0x1] =	stream.indirect_vreg.gather [hbm4b:s18+s3], $0x80, v2, vm0, $0xb8;
	[tilespmem:$0x1C080] =	vst v63  }
0x53: {  	s24 =	simm.s32 $0x7080;
	s20 =	rddreg [dreg:$0x1c]  }
0x54: {  	[tilespmem:s24], [sflag:$0x1] =	stream.indirect_vreg.gather [hbm4b:s19+s3], $0x80, v2, vm0, $0xb8;
	[tilespmem:$0x1C080] =	vst v63  }
0x55: {  	s25 =	simm.s32 $0x7880;
	s21 =	rddreg [dreg:$0x1d]  }
0x56: {  	[tilespmem:s25], [sflag:$0x1] =	stream.indirect_vreg.gather [hbm4b:s20+s3], $0x80, v2, vm0, $0xb8;
	[tilespmem:$0x1C080] =	vst v63  }
0x57: {  	s26 =	simm.s32 $0x8080;
	s22 =	rddreg [dreg:$0x1e]  }
0x58: {  	[tilespmem:s26], [sflag:$0x1] =	stream.indirect_vreg.gather [hbm4b:s21+s3], $0x80, v2, vm0, $0xb8;
	[tilespmem:$0x1C080] =	vst v63  }
0x59: {  	s28 =	simm.s32 $0x8880;
	s23 =	rddreg [dreg:$0x1f]  }
0x5a: {  	[tilespmem:s28], [sflag:$0x1] =	stream.indirect_vreg.gather [hbm4b:s22+s3], $0x80, v2, vm0, $0xb8;
	[tilespmem:$0x1C080] =	vst v63  }
0x5b: {  	s29 =	simm.s32 $0x9080;
	s24 =	sld [smem:$0x7F5]  }
0x5c: {  	[tilespmem:s29], [sflag:$0x1] =	stream.indirect_vreg.gather [hbm4b:s23+s3], $0x80, v2, vm0, $0xb8;
	[tilespmem:$0x1C080] =	vst v63  }
0x5d: {  	s30 =	simm.s32 $0x9880;
	s26 =	sld [smem:$0x7F6]  }
0x5e: {  	[tilespmem:s30], [sflag:$0x1] =	stream.indirect_vreg.gather [hbm4b:s24+s3], $0x80, v2, vm0, $0xb8;
	[tilespmem:$0x1C080] =	vst v63  }
0x5f: {  	s31 =	simm.s32 $0xA080;
	s28 =	sld [smem:$0x7F7]  }
0x60: {  	[tilespmem:s31], [sflag:$0x1] =	stream.indirect_vreg.gather [hbm4b:s26+s3], $0x80, v2, vm0, $0xb8;
	[tilespmem:$0x1C080] =	vst v63  }
0x61: {  	s2 =	simm.s32 $0xA880;
	s29 =	sld [smem:$0x7F8]  }
0x62: {  	[tilespmem:s2], [sflag:$0x1] =	stream.indirect_vreg.gather [hbm4b:s28+s3], $0x80, v2, vm0, $0xb8;
	[tilespmem:$0x1C080] =	vst v63  }
0x63: {  	s4 =	simm.s32 $0xB080;
	s30 =	sld [smem:$0x7F9]  }
0x64: {  	[tilespmem:s4], [sflag:$0x1] =	stream.indirect_vreg.gather [hbm4b:s29+s3], $0x80, v2, vm0, $0xb8;
	[tilespmem:$0x1C080] =	vst v63  }
0x65: {  	s15 =	simm.s32 $0xB880;
	s31 =	sld [smem:$0x7FA]  }
0x66: {  	[tilespmem:s15], [sflag:$0x1] =	stream.indirect_vreg.gather [hbm4b:s30+s3], $0x80, v2, vm0, $0xb8;
	[tilespmem:$0x1C080] =	vst v63  }
0x67: {  	s25 =	simm.s32 $0xC080;
	s15 =	sld [smem:$0x7FB]  }
0x68: {  	[tilespmem:s25], [sflag:$0x1] =	stream.indirect_vreg.gather [hbm4b:s31+s3], $0x80, v2, vm0, $0xb8;
	[tilespmem:$0x1C080] =	vst v63  }
0x69: {  	s2 =	simm.s32 $0xC880;
	s25 =	sld [smem:$0x7FC]  }
0x6a: {  	[tilespmem:s2], [sflag:$0x1] =	stream.indirect_vreg.gather [hbm4b:s15+s3], $0x80, v2, vm0, $0xb8;
	[tilespmem:$0x1C080] =	vst v63  }
0x6b: {  	s4 =	simm.s32 $0xD080  }
0x6c: {  	[tilespmem:s4], [sflag:$0x1] =	stream.indirect_vreg.gather [hbm4b:s25+s3], $0x80, v2, vm0, $0xb8;
	[tilespmem:$0x1C080] =	vst v63  }
0x6d: {  	s4 =	sld [smem:$0x7FD];
	_ =	sdelay $0x1  }
0x6e: {  	s2 =	simm.s32 $0xD880  }
0x6f: {  	[tilespmem:s2], [sflag:$0x1] =	stream.indirect_vreg.gather [hbm4b:s4+s3], $0x80, v2, vm0, $0xb8;
	[tilespmem:$0x1C080] =	vst v63  }
0x70: {  	v2 =	vld.msk [tilespmem:$0x8], $0xff;
	_ =	sdelay $0x4  }
0x71: {  	v3 =	vshrl.u32 v2, $0x3  }
0x72: {  	v3 =	vmul.u32 $0x1C0, v3  }
0x73: {  	v2 =	vand.u32 $0x7, v2  }
0x74: {  	v2 =	vor.u32 v2, v3  }
0x75: {  	v2 =	vperm.xlane v2, v0;
	_ =	sdelay $0x1  }
0x76: {  	v2 =	vadd.s32 v1, v2;
	_ =	sdelay $0x3  }
0x77: {  	s0 =	simm.s32 $0xE080  }
0x78: {  	[tilespmem:s0], [sflag:$0x2] =	stream.indirect_vreg.gather [hbm4b:s1+s3], $0x80, v2, vm0, $0xb8;
	[tilespmem:$0x1C080] =	vst v63  }
0x79: {  	s2 =	simm.s32 $0xE880  }
0x7a: {  	[tilespmem:s2], [sflag:$0x2] =	stream.indirect_vreg.gather [hbm4b:s5+s3], $0x80, v2, vm0, $0xb8;
	[tilespmem:$0x1C080] =	vst v63  }
0x7b: {  	s2 =	simm.s32 $0xF080  }
0x7c: {  	[tilespmem:s2], [sflag:$0x2] =	stream.indirect_vreg.gather [hbm4b:s6+s3], $0x80, v2, vm0, $0xb8;
	[tilespmem:$0x1C080] =	vst v63  }
0x7d: {  	s2 =	simm.s32 $0xF880  }
0x7e: {  	[tilespmem:s2], [sflag:$0x2] =	stream.indirect_vreg.gather [hbm4b:s7+s3], $0x80, v2, vm0, $0xb8;
	[tilespmem:$0x1C080] =	vst v63  }
0x7f: {  	s2 =	simm.s32 $0x10080  }
0x80: {  	[tilespmem:s2], [sflag:$0x2] =	stream.indirect_vreg.gather [hbm4b:s8+s3], $0x80, v2, vm0, $0xb8;
	[tilespmem:$0x1C080] =	vst v63  }
0x81: {  	s2 =	simm.s32 $0x10880  }
0x82: {  	[tilespmem:s2], [sflag:$0x2] =	stream.indirect_vreg.gather [hbm4b:s9+s3], $0x80, v2, vm0, $0xb8;
	[tilespmem:$0x1C080] =	vst v63  }
0x83: {  	s2 =	simm.s32 $0x11080  }
0x84: {  	[tilespmem:s2], [sflag:$0x2] =	stream.indirect_vreg.gather [hbm4b:s10+s3], $0x80, v2, vm0, $0xb8;
	[tilespmem:$0x1C080] =	vst v63  }
0x85: {  	s2 =	simm.s32 $0x11880  }
0x86: {  	[tilespmem:s2], [sflag:$0x2] =	stream.indirect_vreg.gather [hbm4b:s11+s3], $0x80, v2, vm0, $0xb8;
	[tilespmem:$0x1C080] =	vst v63  }
0x87: {  	s2 =	simm.s32 $0x12080  }
0x88: {  	[tilespmem:s2], [sflag:$0x2] =	stream.indirect_vreg.gather [hbm4b:s12+s3], $0x80, v2, vm0, $0xb8;
	[tilespmem:$0x1C080] =	vst v63  }
0x89: {  	s2 =	simm.s32 $0x12880  }
0x8a: {  	[tilespmem:s2], [sflag:$0x2] =	stream.indirect_vreg.gather [hbm4b:s13+s3], $0x80, v2, vm0, $0xb8;
	[tilespmem:$0x1C080] =	vst v63  }
0x8b: {  	s2 =	simm.s32 $0x13080  }
0x8c: {  	[tilespmem:s2], [sflag:$0x2] =	stream.indirect_vreg.gather [hbm4b:s14+s3], $0x80, v2, vm0, $0xb8;
	[tilespmem:$0x1C080] =	vst v63  }
0x8d: {  	s2 =	simm.s32 $0x13880  }
0x8e: {  	[tilespmem:s2], [sflag:$0x2] =	stream.indirect_vreg.gather [hbm4b:s16+s3], $0x80, v2, vm0, $0xb8;
	[tilespmem:$0x1C080] =	vst v63  }
0x8f: {  	s2 =	simm.s32 $0x14080  }
0x90: {  	[tilespmem:s2], [sflag:$0x2] =	stream.indirect_vreg.gather [hbm4b:s17+s3], $0x80, v2, vm0, $0xb8;
	[tilespmem:$0x1C080] =	vst v63  }
0x91: {  	s2 =	simm.s32 $0x14880  }
0x92: {  	[tilespmem:s2], [sflag:$0x2] =	stream.indirect_vreg.gather [hbm4b:s18+s3], $0x80, v2, vm0, $0xb8;
	[tilespmem:$0x1C080] =	vst v63  }
0x93: {  	s2 =	simm.s32 $0x15080  }
0x94: {  	[tilespmem:s2], [sflag:$0x2] =	stream.indirect_vreg.gather [hbm4b:s19+s3], $0x80, v2, vm0, $0xb8;
	[tilespmem:$0x1C080] =	vst v63  }
0x95: {  	s2 =	simm.s32 $0x15880  }
0x96: {  	[tilespmem:s2], [sflag:$0x2] =	stream.indirect_vreg.gather [hbm4b:s20+s3], $0x80, v2, vm0, $0xb8;
	[tilespmem:$0x1C080] =	vst v63  }
0x97: {  	s2 =	simm.s32 $0x16080  }
0x98: {  	[tilespmem:s2], [sflag:$0x2] =	stream.indirect_vreg.gather [hbm4b:s21+s3], $0x80, v2, vm0, $0xb8;
	[tilespmem:$0x1C080] =	vst v63  }
0x99: {  	s2 =	simm.s32 $0x16880  }
0x9a: {  	[tilespmem:s2], [sflag:$0x2] =	stream.indirect_vreg.gather [hbm4b:s22+s3], $0x80, v2, vm0, $0xb8;
	[tilespmem:$0x1C080] =	vst v63  }
0x9b: {  	s2 =	simm.s32 $0x17080  }
0x9c: {  	[tilespmem:s2], [sflag:$0x2] =	stream.indirect_vreg.gather [hbm4b:s23+s3], $0x80, v2, vm0, $0xb8;
	[tilespmem:$0x1C080] =	vst v63  }
0x9d: {  	s2 =	simm.s32 $0x17880  }
0x9e: {  	[tilespmem:s2], [sflag:$0x2] =	stream.indirect_vreg.gather [hbm4b:s24+s3], $0x80, v2, vm0, $0xb8;
	[tilespmem:$0x1C080] =	vst v63  }
0x9f: {  	s2 =	simm.s32 $0x18080  }
0xa0: {  	[tilespmem:s2], [sflag:$0x2] =	stream.indirect_vreg.gather [hbm4b:s26+s3], $0x80, v2, vm0, $0xb8;
	[tilespmem:$0x1C080] =	vst v63  }
0xa1: {  	s2 =	simm.s32 $0x18880  }
0xa2: {  	[tilespmem:s2], [sflag:$0x2] =	stream.indirect_vreg.gather [hbm4b:s28+s3], $0x80, v2, vm0, $0xb8;
	[tilespmem:$0x1C080] =	vst v63  }
0xa3: {  	s2 =	simm.s32 $0x19080  }
0xa4: {  	[tilespmem:s2], [sflag:$0x2] =	stream.indirect_vreg.gather [hbm4b:s29+s3], $0x80, v2, vm0, $0xb8;
	[tilespmem:$0x1C080] =	vst v63  }
0xa5: {  	s2 =	simm.s32 $0x19880  }
0xa6: {  	[tilespmem:s2], [sflag:$0x2] =	stream.indirect_vreg.gather [hbm4b:s30+s3], $0x80, v2, vm0, $0xb8;
	[tilespmem:$0x1C080] =	vst v63  }
0xa7: {  	s2 =	simm.s32 $0x1A080  }
0xa8: {  	[tilespmem:s2], [sflag:$0x2] =	stream.indirect_vreg.gather [hbm4b:s31+s3], $0x80, v2, vm0, $0xb8;
	[tilespmem:$0x1C080] =	vst v63  }
0xa9: {  	s2 =	simm.s32 $0x1A880  }
0xaa: {  	[tilespmem:s2], [sflag:$0x2] =	stream.indirect_vreg.gather [hbm4b:s15+s3], $0x80, v2, vm0, $0xb8;
	[tilespmem:$0x1C080] =	vst v63  }
0xab: {  	s2 =	simm.s32 $0x1B080  }
0xac: {  	[tilespmem:s2], [sflag:$0x2] =	stream.indirect_vreg.gather [hbm4b:s25+s3], $0x80, v2, vm0, $0xb8;
	[tilespmem:$0x1C080] =	vst v63  }
0xad: {  	s2 =	simm.s32 $0x1B880  }
0xae: {  	[tilespmem:s2], [sflag:$0x2] =	stream.indirect_vreg.gather [hbm4b:s4+s3], $0x80, v2, vm0, $0xb8;
	[tilespmem:$0x1C080] =	vst v63  }
0xaf: {  	s2 =	simm.s32 $0x1  }
0xb0: {  	_ =	swait.ge [sflag:s2], $0xE000  }
0xb1: {  	[sflag:s2] =	ssyncset.done $0x0  }
0xb2: {  	s0 =	simm.s32 $0x80;
	[sflag:s2] =	ssyncadd.s32 $0xFFFF2000;
	s2 =	rddreg [dreg:$0xc]  }
0xb3: {  	[hbm4b:s2+s3] =	stream.linear.scatter [tilespmem:s0], [sflag:$0x3], $0xE000, $0x38;
	[tilespmem:$0x1C080] =	vst v63  }
0xb4: {  	s2 =	simm.s32 $0x3  }
0xb5: {  	_ =	swait.ge [sflag:s2], $0xE000  }
0xb6: {  	[sflag:s2] =	ssyncset.done $0x0  }
0xb7: {  	[sflag:s2] =	ssyncadd.s32 $0xFFFF2000  }
0xb8: {  	v2 =	vld.msk [tilespmem:$0x10], $0xff;
	_ =	sdelay $0x4  }
0xb9: {  	v3 =	vshrl.u32 v2, $0x3  }
0xba: {  	v3 =	vmul.u32 $0x1C0, v3  }
0xbb: {  	v2 =	vand.u32 $0x7, v2  }
0xbc: {  	v2 =	vor.u32 v2, v3  }
0xbd: {  	v2 =	vperm.xlane v2, v0;
	_ =	sdelay $0x1  }
0xbe: {  	v2 =	vadd.s32 v1, v2;
	_ =	sdelay $0x4  }
0xbf: {  	[tilespmem:s0], [sflag:$0x1] =	stream.indirect_vreg.gather [hbm4b:s1+s3], $0x80, v2, vm0, $0xb8;
	[tilespmem:$0x1C080] =	vst v63  }
0xc0: {  	s0 =	simm.s32 $0x880  }
0xc1: {  	[tilespmem:s0], [sflag:$0x1] =	stream.indirect_vreg.gather [hbm4b:s5+s3], $0x80, v2, vm0, $0xb8;
	[tilespmem:$0x1C080] =	vst v63  }
0xc2: {  	s1 =	simm.s32 $0x1080  }
0xc3: {  	[tilespmem:s1], [sflag:$0x1] =	stream.indirect_vreg.gather [hbm4b:s6+s3], $0x80, v2, vm0, $0xb8;
	[tilespmem:$0x1C080] =	vst v63  }
0xc4: {  	s0 =	simm.s32 $0x1880  }
0xc5: {  	[tilespmem:s0], [sflag:$0x1] =	stream.indirect_vreg.gather [hbm4b:s7+s3], $0x80, v2, vm0, $0xb8;
	[tilespmem:$0x1C080] =	vst v63  }
0xc6: {  	s1 =	simm.s32 $0x2080  }
0xc7: {  	[tilespmem:s1], [sflag:$0x1] =	stream.indirect_vreg.gather [hbm4b:s8+s3], $0x80, v2, vm0, $0xb8;
	[tilespmem:$0x1C080] =	vst v63  }
0xc8: {  	s0 =	simm.s32 $0x2880  }
0xc9: {  	[tilespmem:s0], [sflag:$0x1] =	stream.indirect_vreg.gather [hbm4b:s9+s3], $0x80, v2, vm0, $0xb8;
	[tilespmem:$0x1C080] =	vst v63  }
0xca: {  	s1 =	simm.s32 $0x3080  }
0xcb: {  	[tilespmem:s1], [sflag:$0x1] =	stream.indirect_vreg.gather [hbm4b:s10+s3], $0x80, v2, vm0, $0xb8;
	[tilespmem:$0x1C080] =	vst v63  }
0xcc: {  	s2 =	simm.s32 $0x3880  }
0xcd: {  	[tilespmem:s2], [sflag:$0x1] =	stream.indirect_vreg.gather [hbm4b:s11+s3], $0x80, v2, vm0, $0xb8;
	[tilespmem:$0x1C080] =	vst v63  }
0xce: {  	s0 =	simm.s32 $0x4080  }
0xcf: {  	[tilespmem:s0], [sflag:$0x1] =	stream.indirect_vreg.gather [hbm4b:s12+s3], $0x80, v2, vm0, $0xb8;
	[tilespmem:$0x1C080] =	vst v63  }
0xd0: {  	s1 =	simm.s32 $0x4880  }
0xd1: {  	[tilespmem:s1], [sflag:$0x1] =	stream.indirect_vreg.gather [hbm4b:s13+s3], $0x80, v2, vm0, $0xb8;
	[tilespmem:$0x1C080] =	vst v63  }
0xd2: {  	s0 =	simm.s32 $0x5080  }
0xd3: {  	[tilespmem:s0], [sflag:$0x1] =	stream.indirect_vreg.gather [hbm4b:s14+s3], $0x80, v2, vm0, $0xb8;
	[tilespmem:$0x1C080] =	vst v63  }
0xd4: {  	s1 =	simm.s32 $0x5880  }
0xd5: {  	[tilespmem:s1], [sflag:$0x1] =	stream.indirect_vreg.gather [hbm4b:s16+s3], $0x80, v2, vm0, $0xb8;
	[tilespmem:$0x1C080] =	vst v63  }
0xd6: {  	s2 =	simm.s32 $0x6080  }
0xd7: {  	[tilespmem:s2], [sflag:$0x1] =	stream.indirect_vreg.gather [hbm4b:s17+s3], $0x80, v2, vm0, $0xb8;
	[tilespmem:$0x1C080] =	vst v63  }
0xd8: {  	s0 =	simm.s32 $0x6880  }
0xd9: {  	[tilespmem:s0], [sflag:$0x1] =	stream.indirect_vreg.gather [hbm4b:s18+s3], $0x80, v2, vm0, $0xb8;
	[tilespmem:$0x1C080] =	vst v63  }
0xda: {  	s1 =	simm.s32 $0x7080  }
0xdb: {  	[tilespmem:s1], [sflag:$0x1] =	stream.indirect_vreg.gather [hbm4b:s19+s3], $0x80, v2, vm0, $0xb8;
	[tilespmem:$0x1C080] =	vst v63  }
0xdc: {  	s0 =	simm.s32 $0x7880  }
0xdd: {  	[tilespmem:s0], [sflag:$0x1] =	stream.indirect_vreg.gather [hbm4b:s20+s3], $0x80, v2, vm0, $0xb8;
	[tilespmem:$0x1C080] =	vst v63  }
0xde: {  	s1 =	simm.s32 $0x8080  }
0xdf: {  	[tilespmem:s1], [sflag:$0x1] =	stream.indirect_vreg.gather [hbm4b:s21+s3], $0x80, v2, vm0, $0xb8;
	[tilespmem:$0x1C080] =	vst v63  }
0xe0: {  	s0 =	simm.s32 $0x8880  }
0xe1: {  	[tilespmem:s0], [sflag:$0x1] =	stream.indirect_vreg.gather [hbm4b:s22+s3], $0x80, v2, vm0, $0xb8;
	[tilespmem:$0x1C080] =	vst v63  }
0xe2: {  	s2 =	simm.s32 $0x9080  }
0xe3: {  	[tilespmem:s2], [sflag:$0x1] =	stream.indirect_vreg.gather [hbm4b:s23+s3], $0x80, v2, vm0, $0xb8;
	[tilespmem:$0x1C080] =	vst v63  }
0xe4: {  	s0 =	simm.s32 $0x9880  }
0xe5: {  	[tilespmem:s0], [sflag:$0x1] =	stream.indirect_vreg.gather [hbm4b:s24+s3], $0x80, v2, vm0, $0xb8;
	[tilespmem:$0x1C080] =	vst v63  }
0xe6: {  	s1 =	simm.s32 $0xA080  }
0xe7: {  	[tilespmem:s1], [sflag:$0x1] =	stream.indirect_vreg.gather [hbm4b:s26+s3], $0x80, v2, vm0, $0xb8;
	[tilespmem:$0x1C080] =	vst v63  }
0xe8: {  	s0 =	simm.s32 $0xA880  }
0xe9: {  	[tilespmem:s0], [sflag:$0x1] =	stream.indirect_vreg.gather [hbm4b:s28+s3], $0x80, v2, vm0, $0xb8;
	[tilespmem:$0x1C080] =	vst v63  }
0xea: {  	s1 =	simm.s32 $0xB080  }
0xeb: {  	[tilespmem:s1], [sflag:$0x1] =	stream.indirect_vreg.gather [hbm4b:s29+s3], $0x80, v2, vm0, $0xb8;
	[tilespmem:$0x1C080] =	vst v63  }
0xec: {  	s0 =	simm.s32 $0xB880  }
0xed: {  	[tilespmem:s0], [sflag:$0x1] =	stream.indirect_vreg.gather [hbm4b:s30+s3], $0x80, v2, vm0, $0xb8;
	[tilespmem:$0x1C080] =	vst v63  }
0xee: {  	s1 =	simm.s32 $0xC080  }
0xef: {  	[tilespmem:s1], [sflag:$0x1] =	stream.indirect_vreg.gather [hbm4b:s31+s3], $0x80, v2, vm0, $0xb8;
	[tilespmem:$0x1C080] =	vst v63  }
0xf0: {  	s2 =	simm.s32 $0xC880  }
0xf1: {  	[tilespmem:s2], [sflag:$0x1] =	stream.indirect_vreg.gather [hbm4b:s15+s3], $0x80, v2, vm0, $0xb8;
	[tilespmem:$0x1C080] =	vst v63  }
0xf2: {  	s0 =	simm.s32 $0xD080  }
0xf3: {  	[tilespmem:s0], [sflag:$0x1] =	stream.indirect_vreg.gather [hbm4b:s25+s3], $0x80, v2, vm0, $0xb8;
	[tilespmem:$0x1C080] =	vst v63  }
0xf4: {  	s2 =	simm.s32 $0xD880;
	s0 =	simm.s32 $0x2  }
0xf5: {  	[tilespmem:s2], [sflag:$0x1] =	stream.indirect_vreg.gather [hbm4b:s4+s3], $0x80, v2, vm0, $0xb8;
	[tilespmem:$0x1C080] =	vst v63  }
0xf6: {  	_ =	swait.ge [sflag:s0], $0xE000  }
0xf7: {  	[sflag:s0] =	ssyncset.done $0x0  }
0xf8: {  	s2 =	rddreg [dreg:$0x5];
	[sflag:s0] =	ssyncadd.s32 $0xFFFF2000;
	s0 =	simm.s32 $0xE080  }
0xf9: {  	[hbm4b:s2+s3] =	stream.linear.scatter [tilespmem:s0], [sflag:$0x4], $0xE000, $0x38;
	[tilespmem:$0x1C080] =	vst v63  }
0xfa: {  	s2 =	simm.s32 $0x4  }
0xfb: {  	_ =	swait.ge [sflag:s2], $0xE000  }
0xfc: {  	[sflag:s2] =	ssyncset.done $0x0  }
0xfd: {  	[sflag:s2] =	ssyncadd.s32 $0xFFFF2000  }
0xfe: {  	v2 =	vld.msk [tilespmem:$0x18], $0xff;
	_ =	sdelay $0x4  }
0xff: {  	v3 =	vshrl.u32 v2, $0x3  }
0x100: {  	v3 =	vmul.u32 $0x1C0, v3  }
0x101: {  	v2 =	vand.u32 $0x7, v2  }
0x102: {  	v2 =	vor.u32 v2, v3  }
0x103: {  	v2 =	vperm.xlane v2, v0;
	_ =	sdelay $0x1  }
0x104: {  	v2 =	vadd.s32 v1, v2;
	_ =	sdelay $0x3  }
0x105: {  	s1 =	rddreg [dreg:$0x1]  }
0x106: {  	[tilespmem:s0], [sflag:$0x2] =	stream.indirect_vreg.gather [hbm4b:s1+s3], $0x80, v2, vm0, $0xb8;
	[tilespmem:$0x1C080] =	vst v63  }
0x107: {  	s2 =	simm.s32 $0xE880  }
0x108: {  	[tilespmem:s2], [sflag:$0x2] =	stream.indirect_vreg.gather [hbm4b:s5+s3], $0x80, v2, vm0, $0xb8;
	[tilespmem:$0x1C080] =	vst v63  }
0x109: {  	s1 =	simm.s32 $0xF080  }
0x10a: {  	[tilespmem:s1], [sflag:$0x2] =	stream.indirect_vreg.gather [hbm4b:s6+s3], $0x80, v2, vm0, $0xb8;
	[tilespmem:$0x1C080] =	vst v63  }
0x10b: {  	s0 =	simm.s32 $0xF880  }
0x10c: {  	[tilespmem:s0], [sflag:$0x2] =	stream.indirect_vreg.gather [hbm4b:s7+s3], $0x80, v2, vm0, $0xb8;
	[tilespmem:$0x1C080] =	vst v63  }
0x10d: {  	s1 =	simm.s32 $0x10080  }
0x10e: {  	[tilespmem:s1], [sflag:$0x2] =	stream.indirect_vreg.gather [hbm4b:s8+s3], $0x80, v2, vm0, $0xb8;
	[tilespmem:$0x1C080] =	vst v63  }
0x10f: {  	s0 =	simm.s32 $0x10880  }
0x110: {  	[tilespmem:s0], [sflag:$0x2] =	stream.indirect_vreg.gather [hbm4b:s9+s3], $0x80, v2, vm0, $0xb8;
	[tilespmem:$0x1C080] =	vst v63  }
0x111: {  	s1 =	simm.s32 $0x11080  }
0x112: {  	[tilespmem:s1], [sflag:$0x2] =	stream.indirect_vreg.gather [hbm4b:s10+s3], $0x80, v2, vm0, $0xb8;
	[tilespmem:$0x1C080] =	vst v63  }
0x113: {  	s0 =	simm.s32 $0x11880  }
0x114: {  	[tilespmem:s0], [sflag:$0x2] =	stream.indirect_vreg.gather [hbm4b:s11+s3], $0x80, v2, vm0, $0xb8;
	[tilespmem:$0x1C080] =	vst v63  }
0x115: {  	s1 =	simm.s32 $0x12080  }
0x116: {  	[tilespmem:s1], [sflag:$0x2] =	stream.indirect_vreg.gather [hbm4b:s12+s3], $0x80, v2, vm0, $0xb8;
	[tilespmem:$0x1C080] =	vst v63  }
0x117: {  	s0 =	simm.s32 $0x12880  }
0x118: {  	[tilespmem:s0], [sflag:$0x2] =	stream.indirect_vreg.gather [hbm4b:s13+s3], $0x80, v2, vm0, $0xb8;
	[tilespmem:$0x1C080] =	vst v63  }
0x119: {  	s1 =	simm.s32 $0x13080  }
0x11a: {  	[tilespmem:s1], [sflag:$0x2] =	stream.indirect_vreg.gather [hbm4b:s14+s3], $0x80, v2, vm0, $0xb8;
	[tilespmem:$0x1C080] =	vst v63  }
0x11b: {  	s0 =	simm.s32 $0x13880  }
0x11c: {  	[tilespmem:s0], [sflag:$0x2] =	stream.indirect_vreg.gather [hbm4b:s16+s3], $0x80, v2, vm0, $0xb8;
	[tilespmem:$0x1C080] =	vst v63  }
0x11d: {  	s1 =	simm.s32 $0x14080  }
0x11e: {  	[tilespmem:s1], [sflag:$0x2] =	stream.indirect_vreg.gather [hbm4b:s17+s3], $0x80, v2, vm0, $0xb8;
	[tilespmem:$0x1C080] =	vst v63  }
0x11f: {  	s0 =	simm.s32 $0x14880  }
0x120: {  	[tilespmem:s0], [sflag:$0x2] =	stream.indirect_vreg.gather [hbm4b:s18+s3], $0x80, v2, vm0, $0xb8;
	[tilespmem:$0x1C080] =	vst v63  }
0x121: {  	s1 =	simm.s32 $0x15080  }
0x122: {  	[tilespmem:s1], [sflag:$0x2] =	stream.indirect_vreg.gather [hbm4b:s19+s3], $0x80, v2, vm0, $0xb8;
	[tilespmem:$0x1C080] =	vst v63  }
0x123: {  	s0 =	simm.s32 $0x15880  }
0x124: {  	[tilespmem:s0], [sflag:$0x2] =	stream.indirect_vreg.gather [hbm4b:s20+s3], $0x80, v2, vm0, $0xb8;
	[tilespmem:$0x1C080] =	vst v63  }
0x125: {  	s1 =	simm.s32 $0x16080  }
0x126: {  	[tilespmem:s1], [sflag:$0x2] =	stream.indirect_vreg.gather [hbm4b:s21+s3], $0x80, v2, vm0, $0xb8;
	[tilespmem:$0x1C080] =	vst v63  }
0x127: {  	s0 =	simm.s32 $0x16880  }
0x128: {  	[tilespmem:s0], [sflag:$0x2] =	stream.indirect_vreg.gather [hbm4b:s22+s3], $0x80, v2, vm0, $0xb8;
	[tilespmem:$0x1C080] =	vst v63  }
0x129: {  	s1 =	simm.s32 $0x17080  }
0x12a: {  	[tilespmem:s1], [sflag:$0x2] =	stream.indirect_vreg.gather [hbm4b:s23+s3], $0x80, v2, vm0, $0xb8;
	[tilespmem:$0x1C080] =	vst v63  }
0x12b: {  	s0 =	simm.s32 $0x17880  }
0x12c: {  	[tilespmem:s0], [sflag:$0x2] =	stream.indirect_vreg.gather [hbm4b:s24+s3], $0x80, v2, vm0, $0xb8;
	[tilespmem:$0x1C080] =	vst v63  }
0x12d: {  	s1 =	simm.s32 $0x18080  }
0x12e: {  	[tilespmem:s1], [sflag:$0x2] =	stream.indirect_vreg.gather [hbm4b:s26+s3], $0x80, v2, vm0, $0xb8;
	[tilespmem:$0x1C080] =	vst v63  }
0x12f: {  	s0 =	simm.s32 $0x18880  }
0x130: {  	[tilespmem:s0], [sflag:$0x2] =	stream.indirect_vreg.gather [hbm4b:s28+s3], $0x80, v2, vm0, $0xb8;
	[tilespmem:$0x1C080] =	vst v63  }
0x131: {  	s1 =	simm.s32 $0x19080  }
0x132: {  	[tilespmem:s1], [sflag:$0x2] =	stream.indirect_vreg.gather [hbm4b:s29+s3], $0x80, v2, vm0, $0xb8;
	[tilespmem:$0x1C080] =	vst v63  }
0x133: {  	s0 =	simm.s32 $0x19880  }
0x134: {  	[tilespmem:s0], [sflag:$0x2] =	stream.indirect_vreg.gather [hbm4b:s30+s3], $0x80, v2, vm0, $0xb8;
	[tilespmem:$0x1C080] =	vst v63  }
0x135: {  	s1 =	simm.s32 $0x1A080  }
0x136: {  	[tilespmem:s1], [sflag:$0x2] =	stream.indirect_vreg.gather [hbm4b:s31+s3], $0x80, v2, vm0, $0xb8;
	[tilespmem:$0x1C080] =	vst v63  }
0x137: {  	s0 =	simm.s32 $0x1A880  }
0x138: {  	[tilespmem:s0], [sflag:$0x2] =	stream.indirect_vreg.gather [hbm4b:s15+s3], $0x80, v2, vm0, $0xb8;
	[tilespmem:$0x1C080] =	vst v63  }
0x139: {  	s1 =	simm.s32 $0x1B080  }
0x13a: {  	[tilespmem:s1], [sflag:$0x2] =	stream.indirect_vreg.gather [hbm4b:s25+s3], $0x80, v2, vm0, $0xb8;
	[tilespmem:$0x1C080] =	vst v63  }
0x13b: {  	s0 =	simm.s32 $0x1B880;
	s1 =	simm.s32 $0x1  }
0x13c: {  	[tilespmem:s0], [sflag:$0x2] =	stream.indirect_vreg.gather [hbm4b:s4+s3], $0x80, v2, vm0, $0xb8;
	[tilespmem:$0x1C080] =	vst v63  }
0x13d: {  	_ =	swait.ge [sflag:s1], $0xE000  }
0x13e: {  	[sflag:s1] =	ssyncset.done $0x0  }
0x13f: {  	s2 =	rddreg [dreg:$0x6];
	[sflag:s1] =	ssyncadd.s32 $0xFFFF2000;
	s1 =	simm.s32 $0x80  }
0x140: {  	[hbm4b:s2+s3] =	stream.linear.scatter [tilespmem:s1], [sflag:$0x3], $0xE000, $0x38;
	[tilespmem:$0x1C080] =	vst v63  }
0x141: {  	s2 =	simm.s32 $0x3  }
0x142: {  	_ =	swait.ge [sflag:s2], $0xE000  }
0x143: {  	[sflag:s2] =	ssyncset.done $0x0  }
0x144: {  	[sflag:s2] =	ssyncadd.s32 $0xFFFF2000  }
0x145: {  	v2 =	vld.msk [tilespmem:$0x20], $0xff;
	_ =	sdelay $0x4  }
0x146: {  	v3 =	vshrl.u32 v2, $0x3  }
0x147: {  	v3 =	vmul.u32 $0x1C0, v3  }
0x148: {  	v2 =	vand.u32 $0x7, v2  }
0x149: {  	v2 =	vor.u32 v2, v3  }
0x14a: {  	v2 =	vperm.xlane v2, v0;
	_ =	sdelay $0x1  }
0x14b: {  	v2 =	vadd.s32 v1, v2;
	_ =	sdelay $0x3  }
0x14c: {  	s0 =	rddreg [dreg:$0x1]  }
0x14d: {  	[tilespmem:s1], [sflag:$0x1] =	stream.indirect_vreg.gather [hbm4b:s0+s3], $0x80, v2, vm0, $0xb8;
	[tilespmem:$0x1C080] =	vst v63  }
0x14e: {  	s1 =	simm.s32 $0x880  }
0x14f: {  	[tilespmem:s1], [sflag:$0x1] =	stream.indirect_vreg.gather [hbm4b:s5+s3], $0x80, v2, vm0, $0xb8;
	[tilespmem:$0x1C080] =	vst v63  }
0x150: {  	s2 =	simm.s32 $0x1080  }
0x151: {  	[tilespmem:s2], [sflag:$0x1] =	stream.indirect_vreg.gather [hbm4b:s6+s3], $0x80, v2, vm0, $0xb8;
	[tilespmem:$0x1C080] =	vst v63  }
0x152: {  	s1 =	simm.s32 $0x1880  }
0x153: {  	[tilespmem:s1], [sflag:$0x1] =	stream.indirect_vreg.gather [hbm4b:s7+s3], $0x80, v2, vm0, $0xb8;
	[tilespmem:$0x1C080] =	vst v63  }
0x154: {  	s2 =	simm.s32 $0x2080  }
0x155: {  	[tilespmem:s2], [sflag:$0x1] =	stream.indirect_vreg.gather [hbm4b:s8+s3], $0x80, v2, vm0, $0xb8;
	[tilespmem:$0x1C080] =	vst v63  }
0x156: {  	s1 =	simm.s32 $0x2880  }
0x157: {  	[tilespmem:s1], [sflag:$0x1] =	stream.indirect_vreg.gather [hbm4b:s9+s3], $0x80, v2, vm0, $0xb8;
	[tilespmem:$0x1C080] =	vst v63  }
0x158: {  	s2 =	simm.s32 $0x3080  }
0x159: {  	[tilespmem:s2], [sflag:$0x1] =	stream.indirect_vreg.gather [hbm4b:s10+s3], $0x80, v2, vm0, $0xb8;
	[tilespmem:$0x1C080] =	vst v63  }
0x15a: {  	s1 =	simm.s32 $0x3880  }
0x15b: {  	[tilespmem:s1], [sflag:$0x1] =	stream.indirect_vreg.gather [hbm4b:s11+s3], $0x80, v2, vm0, $0xb8;
	[tilespmem:$0x1C080] =	vst v63  }
0x15c: {  	s2 =	simm.s32 $0x4080  }
0x15d: {  	[tilespmem:s2], [sflag:$0x1] =	stream.indirect_vreg.gather [hbm4b:s12+s3], $0x80, v2, vm0, $0xb8;
	[tilespmem:$0x1C080] =	vst v63  }
0x15e: {  	s1 =	simm.s32 $0x4880  }
0x15f: {  	[tilespmem:s1], [sflag:$0x1] =	stream.indirect_vreg.gather [hbm4b:s13+s3], $0x80, v2, vm0, $0xb8;
	[tilespmem:$0x1C080] =	vst v63  }
0x160: {  	s2 =	simm.s32 $0x5080  }
0x161: {  	[tilespmem:s2], [sflag:$0x1] =	stream.indirect_vreg.gather [hbm4b:s14+s3], $0x80, v2, vm0, $0xb8;
	[tilespmem:$0x1C080] =	vst v63  }
0x162: {  	s1 =	simm.s32 $0x5880  }
0x163: {  	[tilespmem:s1], [sflag:$0x1] =	stream.indirect_vreg.gather [hbm4b:s16+s3], $0x80, v2, vm0, $0xb8;
	[tilespmem:$0x1C080] =	vst v63  }
0x164: {  	s2 =	simm.s32 $0x6080  }
0x165: {  	[tilespmem:s2], [sflag:$0x1] =	stream.indirect_vreg.gather [hbm4b:s17+s3], $0x80, v2, vm0, $0xb8;
	[tilespmem:$0x1C080] =	vst v63  }
0x166: {  	s1 =	simm.s32 $0x6880  }
0x167: {  	[tilespmem:s1], [sflag:$0x1] =	stream.indirect_vreg.gather [hbm4b:s18+s3], $0x80, v2, vm0, $0xb8;
	[tilespmem:$0x1C080] =	vst v63  }
0x168: {  	s2 =	simm.s32 $0x7080  }
0x169: {  	[tilespmem:s2], [sflag:$0x1] =	stream.indirect_vreg.gather [hbm4b:s19+s3], $0x80, v2, vm0, $0xb8;
	[tilespmem:$0x1C080] =	vst v63  }
0x16a: {  	s1 =	simm.s32 $0x7880  }
0x16b: {  	[tilespmem:s1], [sflag:$0x1] =	stream.indirect_vreg.gather [hbm4b:s20+s3], $0x80, v2, vm0, $0xb8;
	[tilespmem:$0x1C080] =	vst v63  }
0x16c: {  	s2 =	simm.s32 $0x8080  }
0x16d: {  	[tilespmem:s2], [sflag:$0x1] =	stream.indirect_vreg.gather [hbm4b:s21+s3], $0x80, v2, vm0, $0xb8;
	[tilespmem:$0x1C080] =	vst v63  }
0x16e: {  	s1 =	simm.s32 $0x8880  }
0x16f: {  	[tilespmem:s1], [sflag:$0x1] =	stream.indirect_vreg.gather [hbm4b:s22+s3], $0x80, v2, vm0, $0xb8;
	[tilespmem:$0x1C080] =	vst v63  }
0x170: {  	s2 =	simm.s32 $0x9080  }
0x171: {  	[tilespmem:s2], [sflag:$0x1] =	stream.indirect_vreg.gather [hbm4b:s23+s3], $0x80, v2, vm0, $0xb8;
	[tilespmem:$0x1C080] =	vst v63  }
0x172: {  	s1 =	simm.s32 $0x9880  }
0x173: {  	[tilespmem:s1], [sflag:$0x1] =	stream.indirect_vreg.gather [hbm4b:s24+s3], $0x80, v2, vm0, $0xb8;
	[tilespmem:$0x1C080] =	vst v63  }
0x174: {  	s2 =	simm.s32 $0xA080  }
0x175: {  	[tilespmem:s2], [sflag:$0x1] =	stream.indirect_vreg.gather [hbm4b:s26+s3], $0x80, v2, vm0, $0xb8;
	[tilespmem:$0x1C080] =	vst v63  }
0x176: {  	s1 =	simm.s32 $0xA880  }
0x177: {  	[tilespmem:s1], [sflag:$0x1] =	stream.indirect_vreg.gather [hbm4b:s28+s3], $0x80, v2, vm0, $0xb8;
	[tilespmem:$0x1C080] =	vst v63  }
0x178: {  	s2 =	simm.s32 $0xB080  }
0x179: {  	[tilespmem:s2], [sflag:$0x1] =	stream.indirect_vreg.gather [hbm4b:s29+s3], $0x80, v2, vm0, $0xb8;
	[tilespmem:$0x1C080] =	vst v63  }
0x17a: {  	s1 =	simm.s32 $0xB880  }
0x17b: {  	[tilespmem:s1], [sflag:$0x1] =	stream.indirect_vreg.gather [hbm4b:s30+s3], $0x80, v2, vm0, $0xb8;
	[tilespmem:$0x1C080] =	vst v63  }
0x17c: {  	s2 =	simm.s32 $0xC080  }
0x17d: {  	[tilespmem:s2], [sflag:$0x1] =	stream.indirect_vreg.gather [hbm4b:s31+s3], $0x80, v2, vm0, $0xb8;
	[tilespmem:$0x1C080] =	vst v63  }
0x17e: {  	s1 =	simm.s32 $0xC880  }
0x17f: {  	[tilespmem:s1], [sflag:$0x1] =	stream.indirect_vreg.gather [hbm4b:s15+s3], $0x80, v2, vm0, $0xb8;
	[tilespmem:$0x1C080] =	vst v63  }
0x180: {  	s2 =	simm.s32 $0xD080  }
0x181: {  	[tilespmem:s2], [sflag:$0x1] =	stream.indirect_vreg.gather [hbm4b:s25+s3], $0x80, v2, vm0, $0xb8;
	[tilespmem:$0x1C080] =	vst v63  }
0x182: {  	s1 =	simm.s32 $0xD880;
	s2 =	simm.s32 $0x2  }
0x183: {  	[tilespmem:s1], [sflag:$0x1] =	stream.indirect_vreg.gather [hbm4b:s4+s3], $0x80, v2, vm0, $0xb8;
	[tilespmem:$0x1C080] =	vst v63  }
0x184: {  	_ =	swait.ge [sflag:s2], $0xE000  }
0x185: {  	s0 =	simm.s32 $0xE080;
	[sflag:s2] =	ssyncset.done $0x0  }
0x186: {  	s1 =	rddreg [dreg:$0x7];
	[sflag:s2] =	ssyncadd.s32 $0xFFFF2000;
	s2 =	simm.s32 $0x4  }
0x187: {  	[hbm4b:s1+s3] =	stream.linear.scatter [tilespmem:s0], [sflag:$0x4], $0xE000, $0x38;
	[tilespmem:$0x1C080] =	vst v63  }
0x188: {  	_ =	swait.ge [sflag:s2], $0xE000  }
0x189: {  	[sflag:s2] =	ssyncset.done $0x0  }
0x18a: {  	[sflag:s2] =	ssyncadd.s32 $0xFFFF2000  }
0x18b: {  	v2 =	vld.msk [tilespmem:$0x28], $0xff;
	_ =	sdelay $0x4  }
0x18c: {  	v3 =	vshrl.u32 v2, $0x3  }
0x18d: {  	v3 =	vmul.u32 $0x1C0, v3  }
0x18e: {  	v2 =	vand.u32 $0x7, v2  }
0x18f: {  	v2 =	vor.u32 v2, v3  }
0x190: {  	v2 =	vperm.xlane v2, v0;
	_ =	sdelay $0x1  }
0x191: {  	v2 =	vadd.s32 v1, v2;
	_ =	sdelay $0x3  }
0x192: {  	s1 =	rddreg [dreg:$0x1]  }
0x193: {  	[tilespmem:s0], [sflag:$0x2] =	stream.indirect_vreg.gather [hbm4b:s1+s3], $0x80, v2, vm0, $0xb8;
	[tilespmem:$0x1C080] =	vst v63  }
0x194: {  	s2 =	simm.s32 $0xE880  }
0x195: {  	[tilespmem:s2], [sflag:$0x2] =	stream.indirect_vreg.gather [hbm4b:s5+s3], $0x80, v2, vm0, $0xb8;
	[tilespmem:$0x1C080] =	vst v63  }
0x196: {  	s1 =	simm.s32 $0xF080  }
0x197: {  	[tilespmem:s1], [sflag:$0x2] =	stream.indirect_vreg.gather [hbm4b:s6+s3], $0x80, v2, vm0, $0xb8;
	[tilespmem:$0x1C080] =	vst v63  }
0x198: {  	s2 =	simm.s32 $0xF880  }
0x199: {  	[tilespmem:s2], [sflag:$0x2] =	stream.indirect_vreg.gather [hbm4b:s7+s3], $0x80, v2, vm0, $0xb8;
	[tilespmem:$0x1C080] =	vst v63  }
0x19a: {  	s1 =	simm.s32 $0x10080  }
0x19b: {  	[tilespmem:s1], [sflag:$0x2] =	stream.indirect_vreg.gather [hbm4b:s8+s3], $0x80, v2, vm0, $0xb8;
	[tilespmem:$0x1C080] =	vst v63  }
0x19c: {  	s2 =	simm.s32 $0x10880  }
0x19d: {  	[tilespmem:s2], [sflag:$0x2] =	stream.indirect_vreg.gather [hbm4b:s9+s3], $0x80, v2, vm0, $0xb8;
	[tilespmem:$0x1C080] =	vst v63  }
0x19e: {  	s1 =	simm.s32 $0x11080  }
0x19f: {  	[tilespmem:s1], [sflag:$0x2] =	stream.indirect_vreg.gather [hbm4b:s10+s3], $0x80, v2, vm0, $0xb8;
	[tilespmem:$0x1C080] =	vst v63  }
0x1a0: {  	s2 =	simm.s32 $0x11880  }
0x1a1: {  	[tilespmem:s2], [sflag:$0x2] =	stream.indirect_vreg.gather [hbm4b:s11+s3], $0x80, v2, vm0, $0xb8;
	[tilespmem:$0x1C080] =	vst v63  }
0x1a2: {  	s1 =	simm.s32 $0x12080  }
0x1a3: {  	[tilespmem:s1], [sflag:$0x2] =	stream.indirect_vreg.gather [hbm4b:s12+s3], $0x80, v2, vm0, $0xb8;
	[tilespmem:$0x1C080] =	vst v63  }
0x1a4: {  	s2 =	simm.s32 $0x12880  }
0x1a5: {  	[tilespmem:s2], [sflag:$0x2] =	stream.indirect_vreg.gather [hbm4b:s13+s3], $0x80, v2, vm0, $0xb8;
	[tilespmem:$0x1C080] =	vst v63  }
0x1a6: {  	s1 =	simm.s32 $0x13080  }
0x1a7: {  	[tilespmem:s1], [sflag:$0x2] =	stream.indirect_vreg.gather [hbm4b:s14+s3], $0x80, v2, vm0, $0xb8;
	[tilespmem:$0x1C080] =	vst v63  }
0x1a8: {  	s2 =	simm.s32 $0x13880  }
0x1a9: {  	[tilespmem:s2], [sflag:$0x2] =	stream.indirect_vreg.gather [hbm4b:s16+s3], $0x80, v2, vm0, $0xb8;
	[tilespmem:$0x1C080] =	vst v63  }
0x1aa: {  	s1 =	simm.s32 $0x14080  }
0x1ab: {  	[tilespmem:s1], [sflag:$0x2] =	stream.indirect_vreg.gather [hbm4b:s17+s3], $0x80, v2, vm0, $0xb8;
	[tilespmem:$0x1C080] =	vst v63  }
0x1ac: {  	s2 =	simm.s32 $0x14880  }
0x1ad: {  	[tilespmem:s2], [sflag:$0x2] =	stream.indirect_vreg.gather [hbm4b:s18+s3], $0x80, v2, vm0, $0xb8;
	[tilespmem:$0x1C080] =	vst v63  }
0x1ae: {  	s1 =	simm.s32 $0x15080  }
0x1af: {  	[tilespmem:s1], [sflag:$0x2] =	stream.indirect_vreg.gather [hbm4b:s19+s3], $0x80, v2, vm0, $0xb8;
	[tilespmem:$0x1C080] =	vst v63  }
0x1b0: {  	s2 =	simm.s32 $0x15880  }
0x1b1: {  	[tilespmem:s2], [sflag:$0x2] =	stream.indirect_vreg.gather [hbm4b:s20+s3], $0x80, v2, vm0, $0xb8;
	[tilespmem:$0x1C080] =	vst v63  }
0x1b2: {  	s1 =	simm.s32 $0x16080  }
0x1b3: {  	[tilespmem:s1], [sflag:$0x2] =	stream.indirect_vreg.gather [hbm4b:s21+s3], $0x80, v2, vm0, $0xb8;
	[tilespmem:$0x1C080] =	vst v63  }
0x1b4: {  	s2 =	simm.s32 $0x16880  }
0x1b5: {  	[tilespmem:s2], [sflag:$0x2] =	stream.indirect_vreg.gather [hbm4b:s22+s3], $0x80, v2, vm0, $0xb8;
	[tilespmem:$0x1C080] =	vst v63  }
0x1b6: {  	s1 =	simm.s32 $0x17080  }
0x1b7: {  	[tilespmem:s1], [sflag:$0x2] =	stream.indirect_vreg.gather [hbm4b:s23+s3], $0x80, v2, vm0, $0xb8;
	[tilespmem:$0x1C080] =	vst v63  }
0x1b8: {  	s2 =	simm.s32 $0x17880  }
0x1b9: {  	[tilespmem:s2], [sflag:$0x2] =	stream.indirect_vreg.gather [hbm4b:s24+s3], $0x80, v2, vm0, $0xb8;
	[tilespmem:$0x1C080] =	vst v63  }
0x1ba: {  	s1 =	simm.s32 $0x18080  }
0x1bb: {  	[tilespmem:s1], [sflag:$0x2] =	stream.indirect_vreg.gather [hbm4b:s26+s3], $0x80, v2, vm0, $0xb8;
	[tilespmem:$0x1C080] =	vst v63  }
0x1bc: {  	s2 =	simm.s32 $0x18880  }
0x1bd: {  	[tilespmem:s2], [sflag:$0x2] =	stream.indirect_vreg.gather [hbm4b:s28+s3], $0x80, v2, vm0, $0xb8;
	[tilespmem:$0x1C080] =	vst v63  }
0x1be: {  	s1 =	simm.s32 $0x19080  }
0x1bf: {  	[tilespmem:s1], [sflag:$0x2] =	stream.indirect_vreg.gather [hbm4b:s29+s3], $0x80, v2, vm0, $0xb8;
	[tilespmem:$0x1C080] =	vst v63  }
0x1c0: {  	s2 =	simm.s32 $0x19880  }
0x1c1: {  	[tilespmem:s2], [sflag:$0x2] =	stream.indirect_vreg.gather [hbm4b:s30+s3], $0x80, v2, vm0, $0xb8;
	[tilespmem:$0x1C080] =	vst v63  }
0x1c2: {  	s1 =	simm.s32 $0x1A080  }
0x1c3: {  	[tilespmem:s1], [sflag:$0x2] =	stream.indirect_vreg.gather [hbm4b:s31+s3], $0x80, v2, vm0, $0xb8;
	[tilespmem:$0x1C080] =	vst v63  }
0x1c4: {  	s2 =	simm.s32 $0x1A880  }
0x1c5: {  	[tilespmem:s2], [sflag:$0x2] =	stream.indirect_vreg.gather [hbm4b:s15+s3], $0x80, v2, vm0, $0xb8;
	[tilespmem:$0x1C080] =	vst v63  }
0x1c6: {  	s1 =	simm.s32 $0x1B080  }
0x1c7: {  	[tilespmem:s1], [sflag:$0x2] =	stream.indirect_vreg.gather [hbm4b:s25+s3], $0x80, v2, vm0, $0xb8;
	[tilespmem:$0x1C080] =	vst v63  }
0x1c8: {  	s2 =	simm.s32 $0x1B880;
	s1 =	simm.s32 $0x1  }
0x1c9: {  	[tilespmem:s2], [sflag:$0x2] =	stream.indirect_vreg.gather [hbm4b:s4+s3], $0x80, v2, vm0, $0xb8;
	[tilespmem:$0x1C080] =	vst v63  }
0x1ca: {  	_ =	swait.ge [sflag:s1], $0xE000  }
0x1cb: {  	[sflag:s1] =	ssyncset.done $0x0  }
0x1cc: {  	s2 =	rddreg [dreg:$0x8];
	[sflag:s1] =	ssyncadd.s32 $0xFFFF2000;
	s1 =	simm.s32 $0x80  }
0x1cd: {  	[hbm4b:s2+s3] =	stream.linear.scatter [tilespmem:s1], [sflag:$0x3], $0xE000, $0x38;
	[tilespmem:$0x1C080] =	vst v63  }
0x1ce: {  	s2 =	simm.s32 $0x3  }
0x1cf: {  	_ =	swait.ge [sflag:s2], $0xE000  }
0x1d0: {  	[sflag:s2] =	ssyncset.done $0x0  }
0x1d1: {  	[sflag:s2] =	ssyncadd.s32 $0xFFFF2000  }
0x1d2: {  	v2 =	vld.msk [tilespmem:$0x30], $0xff;
	_ =	sdelay $0x4  }
0x1d3: {  	v3 =	vshrl.u32 v2, $0x3  }
0x1d4: {  	v3 =	vmul.u32 $0x1C0, v3  }
0x1d5: {  	v2 =	vand.u32 $0x7, v2  }
0x1d6: {  	v2 =	vor.u32 v2, v3  }
0x1d7: {  	v2 =	vperm.xlane v2, v0;
	_ =	sdelay $0x1  }
0x1d8: {  	v2 =	vadd.s32 v1, v2;
	_ =	sdelay $0x3  }
0x1d9: {  	s0 =	rddreg [dreg:$0x1]  }
0x1da: {  	[tilespmem:s1], [sflag:$0x1] =	stream.indirect_vreg.gather [hbm4b:s0+s3], $0x80, v2, vm0, $0xb8;
	[tilespmem:$0x1C080] =	vst v63  }
0x1db: {  	s1 =	simm.s32 $0x880  }
0x1dc: {  	[tilespmem:s1], [sflag:$0x1] =	stream.indirect_vreg.gather [hbm4b:s5+s3], $0x80, v2, vm0, $0xb8;
	[tilespmem:$0x1C080] =	vst v63  }
0x1dd: {  	s2 =	simm.s32 $0x1080  }
0x1de: {  	[tilespmem:s2], [sflag:$0x1] =	stream.indirect_vreg.gather [hbm4b:s6+s3], $0x80, v2, vm0, $0xb8;
	[tilespmem:$0x1C080] =	vst v63  }
0x1df: {  	s1 =	simm.s32 $0x1880  }
0x1e0: {  	[tilespmem:s1], [sflag:$0x1] =	stream.indirect_vreg.gather [hbm4b:s7+s3], $0x80, v2, vm0, $0xb8;
	[tilespmem:$0x1C080] =	vst v63  }
0x1e1: {  	s2 =	simm.s32 $0x2080  }
0x1e2: {  	[tilespmem:s2], [sflag:$0x1] =	stream.indirect_vreg.gather [hbm4b:s8+s3], $0x80, v2, vm0, $0xb8;
	[tilespmem:$0x1C080] =	vst v63  }
0x1e3: {  	s1 =	simm.s32 $0x2880  }
0x1e4: {  	[tilespmem:s1], [sflag:$0x1] =	stream.indirect_vreg.gather [hbm4b:s9+s3], $0x80, v2, vm0, $0xb8;
	[tilespmem:$0x1C080] =	vst v63  }
0x1e5: {  	s2 =	simm.s32 $0x3080  }
0x1e6: {  	[tilespmem:s2], [sflag:$0x1] =	stream.indirect_vreg.gather [hbm4b:s10+s3], $0x80, v2, vm0, $0xb8;
	[tilespmem:$0x1C080] =	vst v63  }
0x1e7: {  	s1 =	simm.s32 $0x3880  }
0x1e8: {  	[tilespmem:s1], [sflag:$0x1] =	stream.indirect_vreg.gather [hbm4b:s11+s3], $0x80, v2, vm0, $0xb8;
	[tilespmem:$0x1C080] =	vst v63  }
0x1e9: {  	s2 =	simm.s32 $0x4080  }
0x1ea: {  	[tilespmem:s2], [sflag:$0x1] =	stream.indirect_vreg.gather [hbm4b:s12+s3], $0x80, v2, vm0, $0xb8;
	[tilespmem:$0x1C080] =	vst v63  }
0x1eb: {  	s1 =	simm.s32 $0x4880  }
0x1ec: {  	[tilespmem:s1], [sflag:$0x1] =	stream.indirect_vreg.gather [hbm4b:s13+s3], $0x80, v2, vm0, $0xb8;
	[tilespmem:$0x1C080] =	vst v63  }
0x1ed: {  	s2 =	simm.s32 $0x5080  }
0x1ee: {  	[tilespmem:s2], [sflag:$0x1] =	stream.indirect_vreg.gather [hbm4b:s14+s3], $0x80, v2, vm0, $0xb8;
	[tilespmem:$0x1C080] =	vst v63  }
0x1ef: {  	s1 =	simm.s32 $0x5880  }
0x1f0: {  	[tilespmem:s1], [sflag:$0x1] =	stream.indirect_vreg.gather [hbm4b:s16+s3], $0x80, v2, vm0, $0xb8;
	[tilespmem:$0x1C080] =	vst v63  }
0x1f1: {  	s2 =	simm.s32 $0x6080  }
0x1f2: {  	[tilespmem:s2], [sflag:$0x1] =	stream.indirect_vreg.gather [hbm4b:s17+s3], $0x80, v2, vm0, $0xb8;
	[tilespmem:$0x1C080] =	vst v63  }
0x1f3: {  	s1 =	simm.s32 $0x6880  }
0x1f4: {  	[tilespmem:s1], [sflag:$0x1] =	stream.indirect_vreg.gather [hbm4b:s18+s3], $0x80, v2, vm0, $0xb8;
	[tilespmem:$0x1C080] =	vst v63  }
0x1f5: {  	s2 =	simm.s32 $0x7080  }
0x1f6: {  	[tilespmem:s2], [sflag:$0x1] =	stream.indirect_vreg.gather [hbm4b:s19+s3], $0x80, v2, vm0, $0xb8;
	[tilespmem:$0x1C080] =	vst v63  }
0x1f7: {  	s1 =	simm.s32 $0x7880  }
0x1f8: {  	[tilespmem:s1], [sflag:$0x1] =	stream.indirect_vreg.gather [hbm4b:s20+s3], $0x80, v2, vm0, $0xb8;
	[tilespmem:$0x1C080] =	vst v63  }
0x1f9: {  	s2 =	simm.s32 $0x8080  }
0x1fa: {  	[tilespmem:s2], [sflag:$0x1] =	stream.indirect_vreg.gather [hbm4b:s21+s3], $0x80, v2, vm0, $0xb8;
	[tilespmem:$0x1C080] =	vst v63  }
0x1fb: {  	s1 =	simm.s32 $0x8880  }
0x1fc: {  	[tilespmem:s1], [sflag:$0x1] =	stream.indirect_vreg.gather [hbm4b:s22+s3], $0x80, v2, vm0, $0xb8;
	[tilespmem:$0x1C080] =	vst v63  }
0x1fd: {  	s2 =	simm.s32 $0x9080  }
0x1fe: {  	[tilespmem:s2], [sflag:$0x1] =	stream.indirect_vreg.gather [hbm4b:s23+s3], $0x80, v2, vm0, $0xb8;
	[tilespmem:$0x1C080] =	vst v63  }
0x1ff: {  	s1 =	simm.s32 $0x9880  }
0x200: {  	[tilespmem:s1], [sflag:$0x1] =	stream.indirect_vreg.gather [hbm4b:s24+s3], $0x80, v2, vm0, $0xb8;
	[tilespmem:$0x1C080] =	vst v63  }
0x201: {  	s2 =	simm.s32 $0xA080  }
0x202: {  	[tilespmem:s2], [sflag:$0x1] =	stream.indirect_vreg.gather [hbm4b:s26+s3], $0x80, v2, vm0, $0xb8;
	[tilespmem:$0x1C080] =	vst v63  }
0x203: {  	s1 =	simm.s32 $0xA880  }
0x204: {  	[tilespmem:s1], [sflag:$0x1] =	stream.indirect_vreg.gather [hbm4b:s28+s3], $0x80, v2, vm0, $0xb8;
	[tilespmem:$0x1C080] =	vst v63  }
0x205: {  	s2 =	simm.s32 $0xB080  }
0x206: {  	[tilespmem:s2], [sflag:$0x1] =	stream.indirect_vreg.gather [hbm4b:s29+s3], $0x80, v2, vm0, $0xb8;
	[tilespmem:$0x1C080] =	vst v63  }
0x207: {  	s1 =	simm.s32 $0xB880  }
0x208: {  	[tilespmem:s1], [sflag:$0x1] =	stream.indirect_vreg.gather [hbm4b:s30+s3], $0x80, v2, vm0, $0xb8;
	[tilespmem:$0x1C080] =	vst v63  }
0x209: {  	s2 =	simm.s32 $0xC080  }
0x20a: {  	[tilespmem:s2], [sflag:$0x1] =	stream.indirect_vreg.gather [hbm4b:s31+s3], $0x80, v2, vm0, $0xb8;
	[tilespmem:$0x1C080] =	vst v63  }
0x20b: {  	s1 =	simm.s32 $0xC880  }
0x20c: {  	[tilespmem:s1], [sflag:$0x1] =	stream.indirect_vreg.gather [hbm4b:s15+s3], $0x80, v2, vm0, $0xb8;
	[tilespmem:$0x1C080] =	vst v63  }
0x20d: {  	s2 =	simm.s32 $0xD080  }
0x20e: {  	[tilespmem:s2], [sflag:$0x1] =	stream.indirect_vreg.gather [hbm4b:s25+s3], $0x80, v2, vm0, $0xb8;
	[tilespmem:$0x1C080] =	vst v63  }
0x20f: {  	s1 =	simm.s32 $0xD880;
	s2 =	simm.s32 $0x2  }
0x210: {  	[tilespmem:s1], [sflag:$0x1] =	stream.indirect_vreg.gather [hbm4b:s4+s3], $0x80, v2, vm0, $0xb8;
	[tilespmem:$0x1C080] =	vst v63  }
0x211: {  	_ =	swait.ge [sflag:s2], $0xE000  }
0x212: {  	s0 =	simm.s32 $0xE080;
	[sflag:s2] =	ssyncset.done $0x0  }
0x213: {  	s1 =	rddreg [dreg:$0x9];
	[sflag:s2] =	ssyncadd.s32 $0xFFFF2000;
	s2 =	simm.s32 $0x4  }
0x214: {  	[hbm4b:s1+s3] =	stream.linear.scatter [tilespmem:s0], [sflag:$0x4], $0xE000, $0x38;
	[tilespmem:$0x1C080] =	vst v63  }
0x215: {  	_ =	swait.ge [sflag:s2], $0xE000  }
0x216: {  	[sflag:s2] =	ssyncset.done $0x0  }
0x217: {  	[sflag:s2] =	ssyncadd.s32 $0xFFFF2000  }
0x218: {  	v2 =	vld.msk [tilespmem:$0x38], $0xff;
	_ =	sdelay $0x4  }
0x219: {  	v3 =	vshrl.u32 v2, $0x3  }
0x21a: {  	v3 =	vmul.u32 $0x1C0, v3  }
0x21b: {  	v2 =	vand.u32 $0x7, v2  }
0x21c: {  	v2 =	vor.u32 v2, v3  }
0x21d: {  	v2 =	vperm.xlane v2, v0;
	_ =	sdelay $0x1  }
0x21e: {  	v2 =	vadd.s32 v1, v2;
	_ =	sdelay $0x3  }
0x21f: {  	s1 =	rddreg [dreg:$0x1]  }
0x220: {  	[tilespmem:s0], [sflag:$0x2] =	stream.indirect_vreg.gather [hbm4b:s1+s3], $0x80, v2, vm0, $0xb8;
	[tilespmem:$0x1C080] =	vst v63  }
0x221: {  	s2 =	simm.s32 $0xE880  }
0x222: {  	[tilespmem:s2], [sflag:$0x2] =	stream.indirect_vreg.gather [hbm4b:s5+s3], $0x80, v2, vm0, $0xb8;
	[tilespmem:$0x1C080] =	vst v63  }
0x223: {  	s5 =	simm.s32 $0xF080  }
0x224: {  	[tilespmem:s5], [sflag:$0x2] =	stream.indirect_vreg.gather [hbm4b:s6+s3], $0x80, v2, vm0, $0xb8;
	[tilespmem:$0x1C080] =	vst v63  }
0x225: {  	s6 =	simm.s32 $0xF880  }
0x226: {  	[tilespmem:s6], [sflag:$0x2] =	stream.indirect_vreg.gather [hbm4b:s7+s3], $0x80, v2, vm0, $0xb8;
	[tilespmem:$0x1C080] =	vst v63  }
0x227: {  	s7 =	simm.s32 $0x10080  }
0x228: {  	[tilespmem:s7], [sflag:$0x2] =	stream.indirect_vreg.gather [hbm4b:s8+s3], $0x80, v2, vm0, $0xb8;
	[tilespmem:$0x1C080] =	vst v63  }
0x229: {  	s8 =	simm.s32 $0x10880  }
0x22a: {  	[tilespmem:s8], [sflag:$0x2] =	stream.indirect_vreg.gather [hbm4b:s9+s3], $0x80, v2, vm0, $0xb8;
	[tilespmem:$0x1C080] =	vst v63  }
0x22b: {  	s9 =	simm.s32 $0x11080  }
0x22c: {  	[tilespmem:s9], [sflag:$0x2] =	stream.indirect_vreg.gather [hbm4b:s10+s3], $0x80, v2, vm0, $0xb8;
	[tilespmem:$0x1C080] =	vst v63  }
0x22d: {  	s10 =	simm.s32 $0x11880  }
0x22e: {  	[tilespmem:s10], [sflag:$0x2] =	stream.indirect_vreg.gather [hbm4b:s11+s3], $0x80, v2, vm0, $0xb8;
	[tilespmem:$0x1C080] =	vst v63  }
0x22f: {  	s11 =	simm.s32 $0x12080  }
0x230: {  	[tilespmem:s11], [sflag:$0x2] =	stream.indirect_vreg.gather [hbm4b:s12+s3], $0x80, v2, vm0, $0xb8;
	[tilespmem:$0x1C080] =	vst v63  }
0x231: {  	s12 =	simm.s32 $0x12880  }
0x232: {  	[tilespmem:s12], [sflag:$0x2] =	stream.indirect_vreg.gather [hbm4b:s13+s3], $0x80, v2, vm0, $0xb8;
	[tilespmem:$0x1C080] =	vst v63  }
0x233: {  	s13 =	simm.s32 $0x13080  }
0x234: {  	[tilespmem:s13], [sflag:$0x2] =	stream.indirect_vreg.gather [hbm4b:s14+s3], $0x80, v2, vm0, $0xb8;
	[tilespmem:$0x1C080] =	vst v63  }
0x235: {  	s14 =	simm.s32 $0x13880  }
0x236: {  	[tilespmem:s14], [sflag:$0x2] =	stream.indirect_vreg.gather [hbm4b:s16+s3], $0x80, v2, vm0, $0xb8;
	[tilespmem:$0x1C080] =	vst v63  }
0x237: {  	s16 =	simm.s32 $0x14080  }
0x238: {  	[tilespmem:s16], [sflag:$0x2] =	stream.indirect_vreg.gather [hbm4b:s17+s3], $0x80, v2, vm0, $0xb8;
	[tilespmem:$0x1C080] =	vst v63  }
0x239: {  	s2 =	simm.s32 $0x14880  }
0x23a: {  	[tilespmem:s2], [sflag:$0x2] =	stream.indirect_vreg.gather [hbm4b:s18+s3], $0x80, v2, vm0, $0xb8;
	[tilespmem:$0x1C080] =	vst v63  }
0x23b: {  	s5 =	simm.s32 $0x15080  }
0x23c: {  	[tilespmem:s5], [sflag:$0x2] =	stream.indirect_vreg.gather [hbm4b:s19+s3], $0x80, v2, vm0, $0xb8;
	[tilespmem:$0x1C080] =	vst v63  }
0x23d: {  	s6 =	simm.s32 $0x15880  }
0x23e: {  	[tilespmem:s6], [sflag:$0x2] =	stream.indirect_vreg.gather [hbm4b:s20+s3], $0x80, v2, vm0, $0xb8;
	[tilespmem:$0x1C080] =	vst v63  }
0x23f: {  	s7 =	simm.s32 $0x16080  }
0x240: {  	[tilespmem:s7], [sflag:$0x2] =	stream.indirect_vreg.gather [hbm4b:s21+s3], $0x80, v2, vm0, $0xb8;
	[tilespmem:$0x1C080] =	vst v63  }
0x241: {  	s8 =	simm.s32 $0x16880  }
0x242: {  	[tilespmem:s8], [sflag:$0x2] =	stream.indirect_vreg.gather [hbm4b:s22+s3], $0x80, v2, vm0, $0xb8;
	[tilespmem:$0x1C080] =	vst v63  }
0x243: {  	s9 =	simm.s32 $0x17080  }
0x244: {  	[tilespmem:s9], [sflag:$0x2] =	stream.indirect_vreg.gather [hbm4b:s23+s3], $0x80, v2, vm0, $0xb8;
	[tilespmem:$0x1C080] =	vst v63  }
0x245: {  	s10 =	simm.s32 $0x17880  }
0x246: {  	[tilespmem:s10], [sflag:$0x2] =	stream.indirect_vreg.gather [hbm4b:s24+s3], $0x80, v2, vm0, $0xb8;
	[tilespmem:$0x1C080] =	vst v63  }
0x247: {  	s11 =	simm.s32 $0x18080  }
0x248: {  	[tilespmem:s11], [sflag:$0x2] =	stream.indirect_vreg.gather [hbm4b:s26+s3], $0x80, v2, vm0, $0xb8;
	[tilespmem:$0x1C080] =	vst v63  }
0x249: {  	s12 =	simm.s32 $0x18880  }
0x24a: {  	[tilespmem:s12], [sflag:$0x2] =	stream.indirect_vreg.gather [hbm4b:s28+s3], $0x80, v2, vm0, $0xb8;
	[tilespmem:$0x1C080] =	vst v63  }
0x24b: {  	s13 =	simm.s32 $0x19080  }
0x24c: {  	[tilespmem:s13], [sflag:$0x2] =	stream.indirect_vreg.gather [hbm4b:s29+s3], $0x80, v2, vm0, $0xb8;
	[tilespmem:$0x1C080] =	vst v63  }
0x24d: {  	s14 =	simm.s32 $0x19880  }
0x24e: {  	[tilespmem:s14], [sflag:$0x2] =	stream.indirect_vreg.gather [hbm4b:s30+s3], $0x80, v2, vm0, $0xb8;
	[tilespmem:$0x1C080] =	vst v63  }
0x24f: {  	s16 =	simm.s32 $0x1A080  }
0x250: {  	[tilespmem:s16], [sflag:$0x2] =	stream.indirect_vreg.gather [hbm4b:s31+s3], $0x80, v2, vm0, $0xb8;
	[tilespmem:$0x1C080] =	vst v63  }
0x251: {  	s17 =	simm.s32 $0x1A880  }
0x252: {  	[tilespmem:s17], [sflag:$0x2] =	stream.indirect_vreg.gather [hbm4b:s15+s3], $0x80, v2, vm0, $0xb8;
	[tilespmem:$0x1C080] =	vst v63  }
0x253: {  	s18 =	simm.s32 $0x1B080  }
0x254: {  	[tilespmem:s18], [sflag:$0x2] =	stream.indirect_vreg.gather [hbm4b:s25+s3], $0x80, v2, vm0, $0xb8;
	[tilespmem:$0x1C080] =	vst v63  }
0x255: {  	s19 =	simm.s32 $0x1B880;
	s20 =	simm.s32 $0x1  }
0x256: {  	[tilespmem:s19], [sflag:$0x2] =	stream.indirect_vreg.gather [hbm4b:s4+s3], $0x80, v2, vm0, $0xb8;
	[tilespmem:$0x1C080] =	vst v63  }
0x257: {  	_ =	swait.ge [sflag:s20], $0xE000  }
0x258: {  	s22 =	simm.s32 $0x80;
	[sflag:s20] =	ssyncset.done $0x0  }
0x259: {  	s23 =	simm.s32 $0x2;
	s21 =	rddreg [dreg:$0xa];
	[sflag:s20] =	ssyncadd.s32 $0xFFFF2000  }
0x25a: {  	[hbm4b:s21+s3] =	stream.linear.scatter [tilespmem:s22], [sflag:$0x3], $0xE000, $0x38;
	[tilespmem:$0x1C080] =	vst v63  }
0x25b: {  	s0 =	simm.s32 $0xE080;
	_ =	swait.ge [sflag:s23], $0xE000  }
0x25c: {  	s25 =	simm.s32 $0x2;
	s24 =	rddreg [dreg:$0xb];
	[sflag:s23] =	ssyncset.done $0x0  }
0x25d: {  	s28 =	simm.s32 $0x3;
	s26 =	rddreg [dreg:$0xd];
	[sflag:s25] =	ssyncadd.s32 $0xFFFF2000  }
0x25e: {  	[hbm4b:s24+s3] =	stream.linear.scatter [tilespmem:s0], [sflag:$0x4], $0xE000, $0x38;
	[tilespmem:$0x1C080] =	vst v63  }
0x25f: {  	p0 =	sne.s32 s26, $0x1;
	_ =	swait.ge [sflag:s28], $0xE000  }
.Ltmp0:
0x260: {  	s29 =	simm.s32 $0x3;
	[sflag:s28] =	ssyncset.done $0x0;
	(pc) =	sbr.rel @p0 .LBB2_1-.Ltmp0, $4  }
0x261: {  	s30 =	simm.s32 $0x4;
	[sflag:s29] =	ssyncadd.s32 $0xFFFF2000  }
0x262: {  	_ =	swait.ge [sflag:s30], $0xE000  }
0x263: {  	s31 =	simm.s32 $0x4;
	[sflag:s30] =	ssyncset.done $0x0  }
0x264: {  	s2 =	sadd.s32 $0xFFFFFFFF, s26;
	[sflag:s31] =	ssyncadd.s32 $0xFFFF2000  }
0x265: {  	_ =	sfence.sel $0x180000  }
0x266: {  	[bflag:$0x0] =	sbarrier.arrive $0xFFFF  }
0x267: {  	_ =	strace $0x90000047  }
0x268: {  	s0 =	stileid.u32;
	[bflag:$0x2] =	sbarrier.arrive $0xFFFF  }
0x269: {  	p0 =	sne.s32 s0, $0x0;
	s0 =	rddreg [dreg:$0x3]  }
0x26a: {  	s0 =	sadd.s32 @!p0 $0x100000, s0  }
0x26b: {  	[sflag:s0] =	ssyncadd.tile.s32 @!p0 $0x1;
	_ =	shalt  }
.Lfunc_end2:
_tile_overlayer_lowered:
.L_overlay_start_2:
0x26c: {  	(tag) =	ssettag $0x2  }
0x26d: {  	s0 =	rddreg [dreg:$0x0];
	s2 =	stileid.u32  }
0x26e: {  	s1 =	rddreg [dreg:$0x1];
	p0 =	sne.s32 s2, $0x0  }
0x26f: {  	s3 =	rddreg [dreg:$0x2];
	[bflag:$0x3] =	sbarrier.arrive $0xFFFF;
	s2 =	simm.s32 @!p0 $0x1C05  }
0x270: {  	[timem:s3], [sflag:s2] =	dma.local @!p0 [hbm:s0], s1  }
0x271: {  	s0 =	simm.s32 @!p0 $0x5  }
0x272: {  	_ =	swait.ge @!p0 [sflag:s0], s1  }
0x273: {  	s1 =	ssub.s32 @!p0 $0x0, s1;
	[sflag:s0] =	ssyncset.done @!p0 $0x0  }
0x274: {  	[sflag:s0] =	ssyncadd.s32 @!p0 s1  }
0x275: {  	[bflag:$0x3] =	sbarrier.arrive $0xFFFF  }
0x276: {  	_ =	shalt  }

</sc_bundles>
